<compile_context>
chip_gen: v7x
topology: tpu7x:2x2x1
jax: 0.10.2.dev20260603
libtpu: 0.0.44.dev20260713+nightly
codegen_flags: <defaults>
</compile_context>

<pallas_src>
import jax
import jax.numpy as jnp
import numpy as np
from jax import lax
from jax.experimental import pallas as pl
from jax.experimental.pallas import tpu as pltpu
from jax.experimental.pallas import tpu_sc as plsc

N = 10000
E = 320000
FEAT = 128
G = 128

NC = 2
NS = 16
NW = NC * NS
CHUNK = 64
CPW = 160
IBLK = 32
EPAD = NW * CPW * CHUNK
ACC_ROWS = 10240
RPS = ACC_ROWS // NS
PAD_DST = N
NBLK = CPW // IBLK

_AR = np.arange(EPAD - E, dtype=np.int32)
_PAD2 = np.stack([_AR % N, PAD_DST + (_AR % (ACC_ROWS - N))])



def _deg_body(edges_hbm, out_hbm, idx_v, ones_v, zbuf_v, acc_sh, dsem):
  c = lax.axis_index("c")
  s = lax.axis_index("s")
  w = c * NS + s

  pltpu.sync_copy(edges_hbm.at[1, pl.ds(w * CPW, CPW)], idx_v)

  def _fill(i, _):
    ones_v[pl.ds(i * 16, 16)] = jnp.ones((16,), jnp.float32)
    return 0

  lax.fori_loop(0, CHUNK // 16, _fill, 0)

  def _zero(i, _):
    zbuf_v[pl.ds(i * 16, 16)] = jnp.zeros((16,), jnp.float32)
    return 0

  lax.fori_loop(0, RPS // 16, _zero, 0)

  pltpu.sync_copy(zbuf_v, acc_sh.at[pl.ds(s * RPS, RPS)])
  plsc.subcore_barrier()

  def _grp(g, _):
    for j in range(16):
      pltpu.async_copy(ones_v, acc_sh.at[idx_v.at[g * 16 + j]], dsem,
                       add=True)
    for j in range(16):
      pltpu.make_async_copy(ones_v, acc_sh.at[idx_v.at[g * 16 + j]],
                            dsem).wait()
    return 0

  lax.fori_loop(0, CPW // 16, _grp, 0)
  plsc.subcore_barrier()

  pltpu.sync_copy(acc_sh.at[pl.ds(s * RPS, RPS)],
                  out_hbm.at[c, pl.ds(s * RPS, RPS)])


@jax.jit
def _deg_call(edges2d):
  return pl.kernel(
      _deg_body,
      out_type=jax.ShapeDtypeStruct((NC, ACC_ROWS), jnp.float32),
      mesh=plsc.VectorSubcoreMesh(core_axis_name="c", subcore_axis_name="s"),
      scratch_types=[
          pltpu.VMEM((CPW, CHUNK), jnp.int32),
          pltpu.VMEM((CHUNK,), jnp.float32),
          pltpu.VMEM((RPS,), jnp.float32),
          pltpu.VMEM_SHARED((ACC_ROWS,), jnp.float32),
          pltpu.SemaphoreType.DMA,
      ],
  )(edges2d)


def _conv_body(ht_hbm, edges_hbm, out_hbm,
               sidxA_v, didxA_v, sidxB_v, didxB_v,
               rows0_v, rows1_v, rows2_v, acc_sh,
               gsem0, gsem1, gsem2, isemA, isemB):
  c = lax.axis_index("c")
  s = lax.axis_index("s")
  w = c * NS + s

  pltpu.async_copy(edges_hbm.at[0, pl.ds(w * CPW, IBLK)], sidxA_v, isemA)
  pltpu.async_copy(edges_hbm.at[1, pl.ds(w * CPW, IBLK)], didxA_v, isemA)

  def _zero(i, _):
    r = i // 8
    q = i % 8
    rows0_v[r, pl.ds(q * 16, 16)] = jnp.zeros((16,), jnp.float32)
    return 0

  lax.fori_loop(0, CHUNK * 8, _zero, 0)
  for k in range(RPS // CHUNK):
    pltpu.async_copy(rows0_v, acc_sh.at[pl.ds(s * RPS + k * CHUNK, CHUNK)],
                     gsem0)
  for k in range(RPS // CHUNK):
    pltpu.make_async_copy(
        rows0_v, acc_sh.at[pl.ds(s * RPS + k * CHUNK, CHUNK)], gsem0).wait()
  plsc.subcore_barrier()

  bufs = (rows0_v, rows1_v, rows2_v)
  sems = (gsem0, gsem1, gsem2)
  idxs = ((sidxA_v, didxA_v, isemA), (sidxB_v, didxB_v, isemB))

  def _stage(b, sync):
    si, di, sem = idxs[b % 2]
    base = w * CPW + b * IBLK
    if sync:
      pltpu.sync_copy(edges_hbm.at[0, pl.ds(base, IBLK)], si)
      pltpu.sync_copy(edges_hbm.at[1, pl.ds(base, IBLK)], di)
    else:
      pltpu.async_copy(edges_hbm.at[0, pl.ds(base, IBLK)], si, sem)
      pltpu.async_copy(edges_hbm.at[1, pl.ds(base, IBLK)], di, sem)

  def _stage_wait(b):
    si, di, sem = idxs[b % 2]
    base = w * CPW + b * IBLK
    pltpu.make_async_copy(edges_hbm.at[0, pl.ds(base, IBLK)], si, sem).wait()
    pltpu.make_async_copy(edges_hbm.at[1, pl.ds(base, IBLK)], di, sem).wait()

  def _gather(g):
    si = idxs[(g // IBLK) % 2][0]
    k = g % 3
    pltpu.async_copy(ht_hbm.at[si.at[g % IBLK]], bufs[k], sems[k])

  def _gwait(g):
    si = idxs[(g // IBLK) % 2][0]
    k = g % 3
    pltpu.make_async_copy(ht_hbm.at[si.at[g % IBLK]], bufs[k],
                          sems[k]).wait()

  if NBLK > 1:
    _stage(1, sync=False)
  _stage_wait(0)
  _gather(0)
  _gather(1)
  for jj in range(CPW):
    g2 = jj + 2
    if g2 < CPW:
      if g2 % IBLK == 0:
        _stage_wait(g2 // IBLK)
      _gather(g2)
    _gwait(jj)
    di = idxs[(jj // IBLK) % 2][1]
    pltpu.sync_copy(bufs[jj % 3], acc_sh.at[di.at[jj % IBLK]], add=True)
    if jj % IBLK == IBLK - 1 and jj // IBLK + 2 < NBLK:
      _stage(jj // IBLK + 2, sync=False)
  plsc.subcore_barrier()

  pltpu.sync_copy(acc_sh.at[pl.ds(s * RPS, RPS)],
                  out_hbm.at[c, pl.ds(s * RPS, RPS)])


@jax.jit
def _conv_call(ht, edges2d):
  return pl.kernel(
      _conv_body,
      out_type=jax.ShapeDtypeStruct((NC, ACC_ROWS, FEAT), jnp.float32),
      mesh=plsc.VectorSubcoreMesh(core_axis_name="c", subcore_axis_name="s"),
      scratch_types=[
          pltpu.VMEM((IBLK, CHUNK), jnp.int32),
          pltpu.VMEM((IBLK, CHUNK), jnp.int32),
          pltpu.VMEM((IBLK, CHUNK), jnp.int32),
          pltpu.VMEM((IBLK, CHUNK), jnp.int32),
          pltpu.VMEM((CHUNK, FEAT), jnp.float32),
          pltpu.VMEM((CHUNK, FEAT), jnp.float32),
          pltpu.VMEM((CHUNK, FEAT), jnp.float32),
          pltpu.VMEM_SHARED((ACC_ROWS, FEAT), jnp.float32),
          pltpu.SemaphoreType.DMA,
          pltpu.SemaphoreType.DMA,
          pltpu.SemaphoreType.DMA,
          pltpu.SemaphoreType.DMA,
          pltpu.SemaphoreType.DMA,
      ],
  )(ht, edges2d)



def _tc1a_body(x_ref, w1_ref, h_ref):
  h_ref[...] = jnp.dot(x_ref[...], w1_ref[...],
                       preferred_element_type=jnp.float32)


@jax.jit
def _tc1a_call(x, W1):
  return pl.pallas_call(
      _tc1a_body,
      out_shape=jax.ShapeDtypeStruct((N, FEAT), jnp.float32),
  )(x, W1)


def _tc1b_body(degp_ref, h_ref, dinv_ref, ht_ref):
  dv = degp_ref[...]
  deg = (dv[0] + dv[1] + 1.0)[:N]
  dinv = lax.rsqrt(deg)[:, None]
  dinv_ref[...] = dinv
  ht_ref[...] = h_ref[...] * dinv


@jax.jit
def _tc1b_call(degp, h1):
  return pl.pallas_call(
      _tc1b_body,
      out_shape=[
          jax.ShapeDtypeStruct((N, 1), jnp.float32),
          jax.ShapeDtypeStruct((N, FEAT), jnp.float32),
      ],
  )(degp, h1)


def _bn_relu(conv, gamma, beta):
  mu = jnp.mean(conv, axis=0, keepdims=True)
  xc = conv - mu
  var = jnp.mean(xc * xc, axis=0, keepdims=True)
  return jnp.maximum(xc * lax.rsqrt(var + 1e-5) * gamma + beta, 0.0)


def _tc2_body(agg_ref, ht_ref, dinv_ref, g_ref, b_ref, w_ref, out_ref):
  dinv = dinv_ref[...]
  conv = (agg_ref[0, :N] + agg_ref[1, :N] + ht_ref[...]) * dinv
  y = _bn_relu(conv, g_ref[...], b_ref[...])
  out_ref[...] = jnp.dot(y, w_ref[...],
                         preferred_element_type=jnp.float32) * dinv


@jax.jit
def _tc2_call(agg, ht, dinv, gamma, beta, Wn):
  return pl.pallas_call(
      _tc2_body,
      out_shape=jax.ShapeDtypeStruct((N, FEAT), jnp.float32),
  )(agg, ht, dinv, gamma, beta, Wn)


def _tc3_body(agg_ref, ht_ref, dinv_ref, g_ref, b_ref, batch_ref,
              f1w_ref, f1b_ref, f2w_ref, f2b_ref, out_ref):
  conv = (agg_ref[0, :N] + agg_ref[1, :N] + ht_ref[...]) * dinv_ref[...]
  y = _bn_relu(conv, g_ref[...], b_ref[...])
  gid = lax.broadcasted_iota(jnp.int32, (1, G), 1)
  m = (batch_ref[...] == gid).astype(jnp.float32)
  dn = (((0,), (0,)), ((), ()))
  sums = lax.dot_general(m, y, dn, preferred_element_type=jnp.float32)
  ones = jnp.ones((N, 1), jnp.float32)
  counts = lax.dot_general(m, ones, dn, preferred_element_type=jnp.float32)
  pooled = sums / jnp.maximum(counts, 1.0)
  a = jnp.maximum(
      jnp.dot(pooled, f1w_ref[...], preferred_element_type=jnp.float32)
      + f1b_ref[...], 0.0)
  res = jnp.dot(a, f2w_ref[...], preferred_element_type=jnp.float32)
  out_ref[...] = res[:, :2] + f2b_ref[...]


@jax.jit
def _tc3_call(agg, ht, dinv, gamma, beta, batch2d,
              fc1Wp, fc1bp, fc2Wp, fc2bp):
  return pl.pallas_call(
      _tc3_body,
      out_shape=jax.ShapeDtypeStruct((G, 2), jnp.float32),
  )(agg, ht, dinv, gamma, beta, batch2d, fc1Wp, fc1bp, fc2Wp, fc2bp)



def kernel(x, edge_index, batch, W1, b1, gamma1, beta1, W2, b2, gamma2,
           beta2, fc1_W, fc1_b, fc2_W, fc2_b):
  edges2d = jnp.concatenate(
      [edge_index, jnp.asarray(_PAD2)], axis=1).reshape(2, NW * CPW, CHUNK)

  degp = _deg_call(edges2d)
  h1 = _tc1a_call(x, W1)
  dinv, ht1 = _tc1b_call(degp, h1)

  agg1 = _conv_call(ht1, edges2d)
  ht2 = _tc2_call(agg1, ht1, dinv, gamma1[None, :], beta1[None, :], W2)

  agg2 = _conv_call(ht2, edges2d)

  fc1Wp = jnp.pad(fc1_W, ((0, 0), (0, FEAT - fc1_W.shape[1])))
  fc1bp = jnp.pad(fc1_b, (0, FEAT - fc1_b.shape[0]))[None, :]
  fc2Wp = jnp.pad(fc2_W, ((0, FEAT - fc2_W.shape[0]),
                          (0, FEAT - fc2_W.shape[1])))
  return _tc3_call(agg2, ht2, dinv,
                   gamma2[None, :], beta2[None, :], batch[:, None],
                   fc1Wp, fc1bp, fc2Wp, fc2_b[None, :])

# --- scband reference (transcript-rebuilt; emitter-appended) ---
"""Pipeline reference for scband-gcnclassifier-6923487282676 (READ-ONLY COPY).

The authoritative reference and input builder live on the scoring server;
editing this copy changes nothing except your own understanding.
"""

import jax, jax.numpy as jnp
import numpy as np

N = 10000
E = 320000
F_IN = 128
H = 128
G = 128


def setup_inputs(seed: int = 0) -> dict:
    key = jax.random.key(seed)
    ks = jax.random.split(key, 12)
    x = jax.random.normal(ks[0], (N, F_IN), dtype=jnp.float32)
    edge_index = jax.random.randint(ks[1], (2, E), 0, N, dtype=jnp.int32)
    batch = jnp.sort(jax.random.randint(ks[2], (N,), 0, G, dtype=jnp.int32))
    W1 = jax.random.normal(ks[3], (F_IN, H), dtype=jnp.float32) * (1.0 / np.sqrt(F_IN))
    b1 = jnp.zeros((H,), dtype=jnp.float32)
    gamma1 = jnp.ones((H,), dtype=jnp.float32)
    beta1 = jnp.zeros((H,), dtype=jnp.float32)
    W2 = jax.random.normal(ks[4], (H, H), dtype=jnp.float32) * (1.0 / np.sqrt(H))
    b2 = jnp.zeros((H,), dtype=jnp.float32)
    gamma2 = jnp.ones((H,), dtype=jnp.float32)
    beta2 = jnp.zeros((H,), dtype=jnp.float32)
    fc1_W = jax.random.normal(ks[5], (H, 32), dtype=jnp.float32) * (1.0 / np.sqrt(H))
    fc1_b = jnp.zeros((32,), dtype=jnp.float32)
    fc2_W = jax.random.normal(ks[6], (32, 2), dtype=jnp.float32) * (1.0 / np.sqrt(32))
    fc2_b = jnp.zeros((2,), dtype=jnp.float32)
    return {"x": x, "edge_index": edge_index, "batch": batch,
            "W1": W1, "b1": b1, "gamma1": gamma1, "beta1": beta1,
            "W2": W2, "b2": b2, "gamma2": gamma2, "beta2": beta2,
            "fc1_W": fc1_W, "fc1_b": fc1_b, "fc2_W": fc2_W, "fc2_b": fc2_b}


def _gcn_conv(x, src, dst, W, b):
    n = x.shape[0]
    loop = jnp.arange(n, dtype=src.dtype)
    s = jnp.concatenate([src, loop])
    d = jnp.concatenate([dst, loop])
    deg = jax.ops.segment_sum(jnp.ones(s.shape, jnp.float32), d, num_segments=n)
    dinv = jnp.where(deg > 0, deg ** -0.5, 0.0)
    norm = dinv[s] * dinv[d]
    h = x @ W
    out = jax.ops.segment_sum(h[s] * norm[:, None], d, num_segments=n)
    return out + b


def _batchnorm(x, gamma, beta, eps=1e-5):
    mu = jnp.mean(x, axis=0)
    var = jnp.var(x, axis=0)
    return (x - mu) / jnp.sqrt(var + eps) * gamma + beta


def reference(x, edge_index, batch, W1, b1, gamma1, beta1, W2, b2, gamma2, beta2, fc1_W, fc1_b, fc2_W, fc2_b):
    src, dst = edge_index[0], edge_index[1]
    h = jax.nn.relu(_batchnorm(_gcn_conv(x, src, dst, W1, b1), gamma1, beta1))
    h = jax.nn.relu(_batchnorm(_gcn_conv(h, src, dst, W2, b2), gamma2, beta2))
    sums = jax.ops.segment_sum(h, batch, num_segments=G)
    counts = jax.ops.segment_sum(jnp.ones((h.shape[0],), jnp.float32), batch, num_segments=G)
    pooled = sums / jnp.clip(counts, 1.0)[:, None]
    h = jax.nn.relu(pooled @ fc1_W + fc1_b)
    return h @ fc2_W + fc2_b

if __name__ == "__main__":
    import jax
    _d = setup_inputs()
    print(jax.jit(kernel)(*tuple(_d.values())))

</pallas_src>

<mosaic_0001>
#map = affine_map<(d0, d1) -> (0, 0, 0)>
#map1 = affine_map<(d0, d1) -> (0, 0)>
module attributes {stable_mosaic.version = 14 : i64} {
  func.func @_deg_body(%arg0: i32, %arg1: i32, %arg2: memref<2x5120x64xi32, #tpu.memory_space<hbm>>, %arg3: memref<2x10240xf32, #tpu.memory_space<hbm>>, %arg4: memref<160x64xi32, #tpu.memory_space<vmem>>, %arg5: memref<64xf32, #tpu.memory_space<vmem>>, %arg6: memref<640xf32, #tpu.memory_space<vmem>>, %arg7: memref<10240xf32, #tpu.memory_space<vmem_shared>>, %arg8: memref<!tpu.dma_semaphore, #tpu.memory_space<semaphore_mem>>) attributes {dimension_semantics = [#tpu.dimension_semantics<core_parallel>, #tpu.dimension_semantics<subcore_parallel>], iteration_bounds = array<i64: 2, 16>, scalar_prefetch = 0 : i64, scratch_operands = 5 : i64, tpu.core_type = #tpu.core_type<sc_vector_subcore>, window_params = [{transform_indices = #map}, {transform_indices = #map1}]} {
    %mul3A = arith.constant 16 : i32
    %mul3A_0 = arith.muli %arg0, %mul3A : i32
    %add3A = arith.addi %mul3A_0, %arg1 : i32
    %mul3A_1 = arith.constant 160 : i32
    %mul3A_2 = arith.muli %add3A, %mul3A_1 : i32
    %run_scoped3A = arith.constant 1 : i32
    "tpu.region"() ({
      %run_scoped3A_30 = tpu.sem_alloc : memref<!tpu.dma_semaphore, #tpu.memory_space<semaphore_mem>>
      %dma_start3A = arith.constant 0 : i32
      %dma_start3A_31 = tpu.memref_slice %arg2[%run_scoped3A, %mul3A_2, %dma_start3A] : memref<2x5120x64xi32, #tpu.memory_space<hbm>> -> memref<1x160x64xi32, #tpu.memory_space<hbm>>
      %dma_start3A_32 = tpu.memref_squeeze %dma_start3A_31 : memref<1x160x64xi32, #tpu.memory_space<hbm>> -> memref<160x64xi32, #tpu.memory_space<hbm>>
      %dma_start3A_33 = arith.constant 0 : i32
      %dma_start3A_34 = tpu.memref_slice %arg2[%run_scoped3A, %mul3A_2, %dma_start3A_33] : memref<2x5120x64xi32, #tpu.memory_space<hbm>> -> memref<1x160x64xi32, #tpu.memory_space<hbm>>
      %dma_start3A_35 = tpu.memref_squeeze %dma_start3A_34 : memref<1x160x64xi32, #tpu.memory_space<hbm>> -> memref<160x64xi32, #tpu.memory_space<hbm>>
      tpu.enqueue_dma source(%dma_start3A_35 : memref<160x64xi32, #tpu.memory_space<hbm>>) target(%arg4 : memref<160x64xi32, #tpu.memory_space<vmem>>) target_semaphore(%run_scoped3A_30 : memref<!tpu.dma_semaphore, #tpu.memory_space<semaphore_mem>>)
      %dma_wait3A = arith.constant 0 : i32
      %dma_wait3A_36 = tpu.memref_slice %arg2[%run_scoped3A, %mul3A_2, %dma_wait3A] : memref<2x5120x64xi32, #tpu.memory_space<hbm>> -> memref<1x160x64xi32, #tpu.memory_space<hbm>>
      %dma_wait3A_37 = tpu.memref_squeeze %dma_wait3A_36 : memref<1x160x64xi32, #tpu.memory_space<hbm>> -> memref<160x64xi32, #tpu.memory_space<hbm>>
      %dma_wait3A_38 = arith.constant 0 : i32
      %dma_wait3A_39 = tpu.memref_slice %arg2[%run_scoped3A, %mul3A_2, %dma_wait3A_38] : memref<2x5120x64xi32, #tpu.memory_space<hbm>> -> memref<1x160x64xi32, #tpu.memory_space<hbm>>
      %dma_wait3A_40 = tpu.memref_squeeze %dma_wait3A_39 : memref<1x160x64xi32, #tpu.memory_space<hbm>> -> memref<160x64xi32, #tpu.memory_space<hbm>>
      tpu.wait_dma2 semaphore(%run_scoped3A_30 : memref<!tpu.dma_semaphore, #tpu.memory_space<semaphore_mem>>) src(%dma_wait3A_40 : memref<160x64xi32, #tpu.memory_space<hbm>>) dst(%arg4 : memref<160x64xi32, #tpu.memory_space<vmem>>)
      tpu.yield
    }) : () -> ()
    %scan3A = arith.constant 0 : i32
    %scan3A_3 = arith.constant 0 : i32
    %scan3A_4 = arith.constant 4 : i32
    %scan3A_5 = arith.addi %scan3A_3, %scan3A_4 : i32
    %scan3A_6 = arith.constant 1 : i32
    %scan3A_7 = scf.for %scan3A_30 = %scan3A_3 to %scan3A_5 step %scan3A_6 iter_args(%scan3A_31 = %scan3A) -> (i32)  : i32 {
      %broadcast_in_dim3A = arith.constant 1.000000e+00 : f32
      %broadcast_in_dim3A_32 = vector.broadcast %broadcast_in_dim3A : f32 to vector<16xf32>
      %mul3A_33 = arith.constant 16 : i32
      %mul3A_34 = arith.muli %scan3A_30, %mul3A_33 : i32
      %swap3A = arith.index_cast %mul3A_34 : i32 to index
      %swap3A_35 = tpu.vector_load %arg5[%swap3A] {strides = array<i32>} : memref<64xf32, #tpu.memory_space<vmem>>, vector<16xf32>,
      %swap3A_36 = vector.shape_cast %swap3A_35 : vector<16xf32> to vector<16xf32>
      %swap3A_37 = vector.shape_cast %broadcast_in_dim3A_32 : vector<16xf32> to vector<16xf32>
      tpu.vector_store %arg5[%swap3A], %swap3A_37 {strides = array<i32>} : memref<64xf32, #tpu.memory_space<vmem>>, vector<16xf32>,
      %scan3A_38 = arith.constant 0 : i32
      scf.yield %scan3A_38 : i32
    }
    %scan3A_8 = arith.constant 4 : i32
    %scan3A_9 = arith.constant 0 : i32
    %scan3A_10 = arith.constant 0 : i32
    %scan3A_11 = arith.constant 40 : i32
    %scan3A_12 = arith.addi %scan3A_10, %scan3A_11 : i32
    %scan3A_13 = arith.constant 1 : i32
    %scan3A_14 = scf.for %scan3A_30 = %scan3A_10 to %scan3A_12 step %scan3A_13 iter_args(%scan3A_31 = %scan3A_9) -> (i32)  : i32 {
      %broadcast_in_dim3A = arith.constant 0.000000e+00 : f32
      %broadcast_in_dim3A_32 = vector.broadcast %broadcast_in_dim3A : f32 to vector<16xf32>
      %mul3A_33 = arith.constant 16 : i32
      %mul3A_34 = arith.muli %scan3A_30, %mul3A_33 : i32
      %swap3A = arith.index_cast %mul3A_34 : i32 to index
      %swap3A_35 = tpu.vector_load %arg6[%swap3A] {strides = array<i32>} : memref<640xf32, #tpu.memory_space<vmem>>, vector<16xf32>,
      %swap3A_36 = vector.shape_cast %swap3A_35 : vector<16xf32> to vector<16xf32>
      %swap3A_37 = vector.shape_cast %broadcast_in_dim3A_32 : vector<16xf32> to vector<16xf32>
      tpu.vector_store %arg6[%swap3A], %swap3A_37 {strides = array<i32>} : memref<640xf32, #tpu.memory_space<vmem>>, vector<16xf32>,
      %scan3A_38 = arith.constant 0 : i32
      scf.yield %scan3A_38 : i32
    }
    %scan3A_15 = arith.constant 40 : i32
    %mul3A_16 = arith.constant 640 : i32
    %mul3A_17 = arith.muli %arg1, %mul3A_16 : i32
    "tpu.region"() ({
      %run_scoped3A_30 = tpu.sem_alloc : memref<!tpu.dma_semaphore, #tpu.memory_space<semaphore_mem>>
      %dma_start3A = tpu.memref_slice %arg7[%mul3A_17] : memref<10240xf32, #tpu.memory_space<vmem_shared>> -> memref<640xf32, #tpu.memory_space<vmem_shared>>
      %dma_start3A_31 = tpu.memref_slice %arg7[%mul3A_17] : memref<10240xf32, #tpu.memory_space<vmem_shared>> -> memref<640xf32, #tpu.memory_space<vmem_shared>>
      tpu.enqueue_dma source(%arg6 : memref<640xf32, #tpu.memory_space<vmem>>) target(%dma_start3A_31 : memref<640xf32, #tpu.memory_space<vmem_shared>>) target_semaphore(%run_scoped3A_30 : memref<!tpu.dma_semaphore, #tpu.memory_space<semaphore_mem>>)
      %dma_wait3A = tpu.memref_slice %arg7[%mul3A_17] : memref<10240xf32, #tpu.memory_space<vmem_shared>> -> memref<640xf32, #tpu.memory_space<vmem_shared>>
      %dma_wait3A_32 = tpu.memref_slice %arg7[%mul3A_17] : memref<10240xf32, #tpu.memory_space<vmem_shared>> -> memref<640xf32, #tpu.memory_space<vmem_shared>>
      tpu.wait_dma2 semaphore(%run_scoped3A_30 : memref<!tpu.dma_semaphore, #tpu.memory_space<semaphore_mem>>) src(%arg6 : memref<640xf32, #tpu.memory_space<vmem>>) dst(%dma_wait3A_32 : memref<640xf32, #tpu.memory_space<vmem_shared>>)
      tpu.yield
    }) : () -> ()
    %barrier3A = arith.constant 0 : index
    tpu.barrier barrier_id(%barrier3A)
    %scan3A_18 = arith.constant 0 : i32
    %scan3A_19 = arith.constant 0 : i32
    %scan3A_20 = arith.constant 10 : i32
    %scan3A_21 = arith.addi %scan3A_19, %scan3A_20 : i32
    %scan3A_22 = arith.constant 1 : i32
    %scan3A_23 = scf.for %scan3A_30 = %scan3A_19 to %scan3A_21 step %scan3A_22 iter_args(%scan3A_31 = %scan3A_18) -> (i32)  : i32 {
      %mul3A_32 = arith.constant 16 : i32
      %mul3A_33 = arith.muli %scan3A_30, %mul3A_32 : i32
      %add3A_34 = arith.constant 0 : i32
      %add3A_35 = arith.addi %mul3A_33, %add3A_34 : i32
      %dma_start3A = arith.constant 0 : i32
      %dma_start3A_36 = tpu.memref_slice %arg4[%add3A_35, %dma_start3A] : memref<160x64xi32, #tpu.memory_space<vmem>> -> memref<1x64xi32, #tpu.memory_space<vmem>>
      %dma_start3A_37 = tpu.memref_squeeze %dma_start3A_36 : memref<1x64xi32, #tpu.memory_space<vmem>> -> memref<64xi32, #tpu.memory_space<vmem>>
      %dma_start3A_38 = arith.constant 0 : i32
      %dma_start3A_39 = tpu.memref_slice %arg7[%dma_start3A_38] : memref<10240xf32, #tpu.memory_space<vmem_shared>> -> memref<10240xf32, #tpu.memory_space<vmem_shared>>
      tpu.enqueue_indirect_dma source(%arg5 : memref<64xf32, #tpu.memory_space<vmem>>) target(%dma_start3A_39 : memref<10240xf32, #tpu.memory_space<vmem_shared>>) offsets(%dma_start3A_37 : memref<64xi32, #tpu.memory_space<vmem>>) semaphore(%arg8 : memref<!tpu.dma_semaphore, #tpu.memory_space<semaphore_mem>>) {add = true}
      %mul3A_40 = arith.constant 16 : i32
      %mul3A_41 = arith.muli %scan3A_30, %mul3A_40 : i32
      %add3A_42 = arith.constant 1 : i32
      %add3A_43 = arith.addi %mul3A_41, %add3A_42 : i32
      %dma_start3A_44 = arith.constant 0 : i32
      %dma_start3A_45 = tpu.memref_slice %arg4[%add3A_43, %dma_start3A_44] : memref<160x64xi32, #tpu.memory_space<vmem>> -> memref<1x64xi32, #tpu.memory_space<vmem>>
      %dma_start3A_46 = tpu.memref_squeeze %dma_start3A_45 : memref<1x64xi32, #tpu.memory_space<vmem>> -> memref<64xi32, #tpu.memory_space<vmem>>
      %dma_start3A_47 = arith.constant 0 : i32
      %dma_start3A_48 = tpu.memref_slice %arg7[%dma_start3A_47] : memref<10240xf32, #tpu.memory_space<vmem_shared>> -> memref<10240xf32, #tpu.memory_space<vmem_shared>>
      tpu.enqueue_indirect_dma source(%arg5 : memref<64xf32, #tpu.memory_space<vmem>>) target(%dma_start3A_48 : memref<10240xf32, #tpu.memory_space<vmem_shared>>) offsets(%dma_start3A_46 : memref<64xi32, #tpu.memory_space<vmem>>) semaphore(%arg8 : memref<!tpu.dma_semaphore, #tpu.memory_space<semaphore_mem>>) {add = true}
      %mul3A_49 = arith.constant 16 : i32
      %mul3A_50 = arith.muli %scan3A_30, %mul3A_49 : i32
      %add3A_51 = arith.constant 2 : i32
      %add3A_52 = arith.addi %mul3A_50, %add3A_51 : i32
      %dma_start3A_53 = arith.constant 0 : i32
      %dma_start3A_54 = tpu.memref_slice %arg4[%add3A_52, %dma_start3A_53] : memref<160x64xi32, #tpu.memory_space<vmem>> -> memref<1x64xi32, #tpu.memory_space<vmem>>
      %dma_start3A_55 = tpu.memref_squeeze %dma_start3A_54 : memref<1x64xi32, #tpu.memory_space<vmem>> -> memref<64xi32, #tpu.memory_space<vmem>>
      %dma_start3A_56 = arith.constant 0 : i32
      %dma_start3A_57 = tpu.memref_slice %arg7[%dma_start3A_56] : memref<10240xf32, #tpu.memory_space<vmem_shared>> -> memref<10240xf32, #tpu.memory_space<vmem_shared>>
      tpu.enqueue_indirect_dma source(%arg5 : memref<64xf32, #tpu.memory_space<vmem>>) target(%dma_start3A_57 : memref<10240xf32, #tpu.memory_space<vmem_shared>>) offsets(%dma_start3A_55 : memref<64xi32, #tpu.memory_space<vmem>>) semaphore(%arg8 : memref<!tpu.dma_semaphore, #tpu.memory_space<semaphore_mem>>) {add = true}
      %mul3A_58 = arith.constant 16 : i32
      %mul3A_59 = arith.muli %scan3A_30, %mul3A_58 : i32
      %add3A_60 = arith.constant 3 : i32
      %add3A_61 = arith.addi %mul3A_59, %add3A_60 : i32
      %dma_start3A_62 = arith.constant 0 : i32
      %dma_start3A_63 = tpu.memref_slice %arg4[%add3A_61, %dma_start3A_62] : memref<160x64xi32, #tpu.memory_space<vmem>> -> memref<1x64xi32, #tpu.memory_space<vmem>>
      %dma_start3A_64 = tpu.memref_squeeze %dma_start3A_63 : memref<1x64xi32, #tpu.memory_space<vmem>> -> memref<64xi32, #tpu.memory_space<vmem>>
      %dma_start3A_65 = arith.constant 0 : i32
      %dma_start3A_66 = tpu.memref_slice %arg7[%dma_start3A_65] : memref<10240xf32, #tpu.memory_space<vmem_shared>> -> memref<10240xf32, #tpu.memory_space<vmem_shared>>
      tpu.enqueue_indirect_dma source(%arg5 : memref<64xf32, #tpu.memory_space<vmem>>) target(%dma_start3A_66 : memref<10240xf32, #tpu.memory_space<vmem_shared>>) offsets(%dma_start3A_64 : memref<64xi32, #tpu.memory_space<vmem>>) semaphore(%arg8 : memref<!tpu.dma_semaphore, #tpu.memory_space<semaphore_mem>>) {add = true}
      %mul3A_67 = arith.constant 16 : i32
      %mul3A_68 = arith.muli %scan3A_30, %mul3A_67 : i32
      %add3A_69 = arith.constant 4 : i32
      %add3A_70 = arith.addi %mul3A_68, %add3A_69 : i32
      %dma_start3A_71 = arith.constant 0 : i32
      %dma_start3A_72 = tpu.memref_slice %arg4[%add3A_70, %dma_start3A_71] : memref<160x64xi32, #tpu.memory_space<vmem>> -> memref<1x64xi32, #tpu.memory_space<vmem>>
      %dma_start3A_73 = tpu.memref_squeeze %dma_start3A_72 : memref<1x64xi32, #tpu.memory_space<vmem>> -> memref<64xi32, #tpu.memory_space<vmem>>
      %dma_start3A_74 = arith.constant 0 : i32
      %dma_start3A_75 = tpu.memref_slice %arg7[%dma_start3A_74] : memref<10240xf32, #tpu.memory_space<vmem_shared>> -> memref<10240xf32, #tpu.memory_space<vmem_shared>>
      tpu.enqueue_indirect_dma source(%arg5 : memref<64xf32, #tpu.memory_space<vmem>>) target(%dma_start3A_75 : memref<10240xf32, #tpu.memory_space<vmem_shared>>) offsets(%dma_start3A_73 : memref<64xi32, #tpu.memory_space<vmem>>) semaphore(%arg8 : memref<!tpu.dma_semaphore, #tpu.memory_space<semaphore_mem>>) {add = true}
      %mul3A_76 = arith.constant 16 : i32
      %mul3A_77 = arith.muli %scan3A_30, %mul3A_76 : i32
      %add3A_78 = arith.constant 5 : i32
      %add3A_79 = arith.addi %mul3A_77, %add3A_78 : i32
      %dma_start3A_80 = arith.constant 0 : i32
      %dma_start3A_81 = tpu.memref_slice %arg4[%add3A_79, %dma_start3A_80] : memref<160x64xi32, #tpu.memory_space<vmem>> -> memref<1x64xi32, #tpu.memory_space<vmem>>
      %dma_start3A_82 = tpu.memref_squeeze %dma_start3A_81 : memref<1x64xi32, #tpu.memory_space<vmem>> -> memref<64xi32, #tpu.memory_space<vmem>>
      %dma_start3A_83 = arith.constant 0 : i32
      %dma_start3A_84 = tpu.memref_slice %arg7[%dma_start3A_83] : memref<10240xf32, #tpu.memory_space<vmem_shared>> -> memref<10240xf32, #tpu.memory_space<vmem_shared>>
      tpu.enqueue_indirect_dma source(%arg5 : memref<64xf32, #tpu.memory_space<vmem>>) target(%dma_start3A_84 : memref<10240xf32, #tpu.memory_space<vmem_shared>>) offsets(%dma_start3A_82 : memref<64xi32, #tpu.memory_space<vmem>>) semaphore(%arg8 : memref<!tpu.dma_semaphore, #tpu.memory_space<semaphore_mem>>) {add = true}
      %mul3A_85 = arith.constant 16 : i32
      %mul3A_86 = arith.muli %scan3A_30, %mul3A_85 : i32
      %add3A_87 = arith.constant 6 : i32
      %add3A_88 = arith.addi %mul3A_86, %add3A_87 : i32
      %dma_start3A_89 = arith.constant 0 : i32
      %dma_start3A_90 = tpu.memref_slice %arg4[%add3A_88, %dma_start3A_89] : memref<160x64xi32, #tpu.memory_space<vmem>> -> memref<1x64xi32, #tpu.memory_space<vmem>>
      %dma_start3A_91 = tpu.memref_squeeze %dma_start3A_90 : memref<1x64xi32, #tpu.memory_space<vmem>> -> memref<64xi32, #tpu.memory_space<vmem>>
      %dma_start3A_92 = arith.constant 0 : i32
      %dma_start3A_93 = tpu.memref_slice %arg7[%dma_start3A_92] : memref<10240xf32, #tpu.memory_space<vmem_shared>> -> memref<10240xf32, #tpu.memory_space<vmem_shared>>
      tpu.enqueue_indirect_dma source(%arg5 : memref<64xf32, #tpu.memory_space<vmem>>) target(%dma_start3A_93 : memref<10240xf32, #tpu.memory_space<vmem_shared>>) offsets(%dma_start3A_91 : memref<64xi32, #tpu.memory_space<vmem>>) semaphore(%arg8 : memref<!tpu.dma_semaphore, #tpu.memory_space<semaphore_mem>>) {add = true}
      %mul3A_94 = arith.constant 16 : i32
      %mul3A_95 = arith.muli %scan3A_30, %mul3A_94 : i32
      %add3A_96 = arith.constant 7 : i32
      %add3A_97 = arith.addi %mul3A_95, %add3A_96 : i32
      %dma_start3A_98 = arith.constant 0 : i32
      %dma_start3A_99 = tpu.memref_slice %arg4[%add3A_97, %dma_start3A_98] : memref<160x64xi32, #tpu.memory_space<vmem>> -> memref<1x64xi32, #tpu.memory_space<vmem>>
      %dma_start3A_100 = tpu.memref_squeeze %dma_start3A_99 : memref<1x64xi32, #tpu.memory_space<vmem>> -> memref<64xi32, #tpu.memory_space<vmem>>
      %dma_start3A_101 = arith.constant 0 : i32
      %dma_start3A_102 = tpu.memref_slice %arg7[%dma_start3A_101] : memref<10240xf32, #tpu.memory_space<vmem_shared>> -> memref<10240xf32, #tpu.memory_space<vmem_shared>>
      tpu.enqueue_indirect_dma source(%arg5 : memref<64xf32, #tpu.memory_space<vmem>>) target(%dma_start3A_102 : memref<10240xf32, #tpu.memory_space<vmem_shared>>) offsets(%dma_start3A_100 : memref<64xi32, #tpu.memory_space<vmem>>) semaphore(%arg8 : memref<!tpu.dma_semaphore, #tpu.memory_space<semaphore_mem>>) {add = true}
      %mul3A_103 = arith.constant 16 : i32
      %mul3A_104 = arith.muli %scan3A_30, %mul3A_103 : i32
      %add3A_105 = arith.constant 8 : i32
      %add3A_106 = arith.addi %mul3A_104, %add3A_105 : i32
      %dma_start3A_107 = arith.constant 0 : i32
      %dma_start3A_108 = tpu.memref_slice %arg4[%add3A_106, %dma_start3A_107] : memref<160x64xi32, #tpu.memory_space<vmem>> -> memref<1x64xi32, #tpu.memory_space<vmem>>
      %dma_start3A_109 = tpu.memref_squeeze %dma_start3A_108 : memref<1x64xi32, #tpu.memory_space<vmem>> -> memref<64xi32, #tpu.memory_space<vmem>>
      %dma_start3A_110 = arith.constant 0 : i32
      %dma_start3A_111 = tpu.memref_slice %arg7[%dma_start3A_110] : memref<10240xf32, #tpu.memory_space<vmem_shared>> -> memref<10240xf32, #tpu.memory_space<vmem_shared>>
      tpu.enqueue_indirect_dma source(%arg5 : memref<64xf32, #tpu.memory_space<vmem>>) target(%dma_start3A_111 : memref<10240xf32, #tpu.memory_space<vmem_shared>>) offsets(%dma_start3A_109 : memref<64xi32, #tpu.memory_space<vmem>>) semaphore(%arg8 : memref<!tpu.dma_semaphore, #tpu.memory_space<semaphore_mem>>) {add = true}
      %mul3A_112 = arith.constant 16 : i32
      %mul3A_113 = arith.muli %scan3A_30, %mul3A_112 : i32
      %add3A_114 = arith.constant 9 : i32
      %add3A_115 = arith.addi %mul3A_113, %add3A_114 : i32
      %dma_start3A_116 = arith.constant 0 : i32
      %dma_start3A_117 = tpu.memref_slice %arg4[%add3A_115, %dma_start3A_116] : memref<160x64xi32, #tpu.memory_space<vmem>> -> memref<1x64xi32, #tpu.memory_space<vmem>>
      %dma_start3A_118 = tpu.memref_squeeze %dma_start3A_117 : memref<1x64xi32, #tpu.memory_space<vmem>> -> memref<64xi32, #tpu.memory_space<vmem>>
      %dma_start3A_119 = arith.constant 0 : i32
      %dma_start3A_120 = tpu.memref_slice %arg7[%dma_start3A_119] : memref<10240xf32, #tpu.memory_space<vmem_shared>> -> memref<10240xf32, #tpu.memory_space<vmem_shared>>
      tpu.enqueue_indirect_dma source(%arg5 : memref<64xf32, #tpu.memory_space<vmem>>) target(%dma_start3A_120 : memref<10240xf32, #tpu.memory_space<vmem_shared>>) offsets(%dma_start3A_118 : memref<64xi32, #tpu.memory_space<vmem>>) semaphore(%arg8 : memref<!tpu.dma_semaphore, #tpu.memory_space<semaphore_mem>>) {add = true}
      %mul3A_121 = arith.constant 16 : i32
      %mul3A_122 = arith.muli %scan3A_30, %mul3A_121 : i32
      %add3A_123 = arith.constant 10 : i32
      %add3A_124 = arith.addi %mul3A_122, %add3A_123 : i32
      %dma_start3A_125 = arith.constant 0 : i32
      %dma_start3A_126 = tpu.memref_slice %arg4[%add3A_124, %dma_start3A_125] : memref<160x64xi32, #tpu.memory_space<vmem>> -> memref<1x64xi32, #tpu.memory_space<vmem>>
      %dma_start3A_127 = tpu.memref_squeeze %dma_start3A_126 : memref<1x64xi32, #tpu.memory_space<vmem>> -> memref<64xi32, #tpu.memory_space<vmem>>
      %dma_start3A_128 = arith.constant 0 : i32
      %dma_start3A_129 = tpu.memref_slice %arg7[%dma_start3A_128] : memref<10240xf32, #tpu.memory_space<vmem_shared>> -> memref<10240xf32, #tpu.memory_space<vmem_shared>>
      tpu.enqueue_indirect_dma source(%arg5 : memref<64xf32, #tpu.memory_space<vmem>>) target(%dma_start3A_129 : memref<10240xf32, #tpu.memory_space<vmem_shared>>) offsets(%dma_start3A_127 : memref<64xi32, #tpu.memory_space<vmem>>) semaphore(%arg8 : memref<!tpu.dma_semaphore, #tpu.memory_space<semaphore_mem>>) {add = true}
      %mul3A_130 = arith.constant 16 : i32
      %mul3A_131 = arith.muli %scan3A_30, %mul3A_130 : i32
      %add3A_132 = arith.constant 11 : i32
      %add3A_133 = arith.addi %mul3A_131, %add3A_132 : i32
      %dma_start3A_134 = arith.constant 0 : i32
      %dma_start3A_135 = tpu.memref_slice %arg4[%add3A_133, %dma_start3A_134] : memref<160x64xi32, #tpu.memory_space<vmem>> -> memref<1x64xi32, #tpu.memory_space<vmem>>
      %dma_start3A_136 = tpu.memref_squeeze %dma_start3A_135 : memref<1x64xi32, #tpu.memory_space<vmem>> -> memref<64xi32, #tpu.memory_space<vmem>>
      %dma_start3A_137 = arith.constant 0 : i32
      %dma_start3A_138 = tpu.memref_slice %arg7[%dma_start3A_137] : memref<10240xf32, #tpu.memory_space<vmem_shared>> -> memref<10240xf32, #tpu.memory_space<vmem_shared>>
      tpu.enqueue_indirect_dma source(%arg5 : memref<64xf32, #tpu.memory_space<vmem>>) target(%dma_start3A_138 : memref<10240xf32, #tpu.memory_space<vmem_shared>>) offsets(%dma_start3A_136 : memref<64xi32, #tpu.memory_space<vmem>>) semaphore(%arg8 : memref<!tpu.dma_semaphore, #tpu.memory_space<semaphore_mem>>) {add = true}
      %mul3A_139 = arith.constant 16 : i32
      %mul3A_140 = arith.muli %scan3A_30, %mul3A_139 : i32
      %add3A_141 = arith.constant 12 : i32
      %add3A_142 = arith.addi %mul3A_140, %add3A_141 : i32
      %dma_start3A_143 = arith.constant 0 : i32
      %dma_start3A_144 = tpu.memref_slice %arg4[%add3A_142, %dma_start3A_143] : memref<160x64xi32, #tpu.memory_space<vmem>> -> memref<1x64xi32, #tpu.memory_space<vmem>>
      %dma_start3A_145 = tpu.memref_squeeze %dma_start3A_144 : memref<1x64xi32, #tpu.memory_space<vmem>> -> memref<64xi32, #tpu.memory_space<vmem>>
      %dma_start3A_146 = arith.constant 0 : i32
      %dma_start3A_147 = tpu.memref_slice %arg7[%dma_start3A_146] : memref<10240xf32, #tpu.memory_space<vmem_shared>> -> memref<10240xf32, #tpu.memory_space<vmem_shared>>
      tpu.enqueue_indirect_dma source(%arg5 : memref<64xf32, #tpu.memory_space<vmem>>) target(%dma_start3A_147 : memref<10240xf32, #tpu.memory_space<vmem_shared>>) offsets(%dma_start3A_145 : memref<64xi32, #tpu.memory_space<vmem>>) semaphore(%arg8 : memref<!tpu.dma_semaphore, #tpu.memory_space<semaphore_mem>>) {add = true}
      %mul3A_148 = arith.constant 16 : i32
      %mul3A_149 = arith.muli %scan3A_30, %mul3A_148 : i32
      %add3A_150 = arith.constant 13 : i32
      %add3A_151 = arith.addi %mul3A_149, %add3A_150 : i32
      %dma_start3A_152 = arith.constant 0 : i32
      %dma_start3A_153 = tpu.memref_slice %arg4[%add3A_151, %dma_start3A_152] : memref<160x64xi32, #tpu.memory_space<vmem>> -> memref<1x64xi32, #tpu.memory_space<vmem>>
      %dma_start3A_154 = tpu.memref_squeeze %dma_start3A_153 : memref<1x64xi32, #tpu.memory_space<vmem>> -> memref<64xi32, #tpu.memory_space<vmem>>
      %dma_start3A_155 = arith.constant 0 : i32
      %dma_start3A_156 = tpu.memref_slice %arg7[%dma_start3A_155] : memref<10240xf32, #tpu.memory_space<vmem_shared>> -> memref<10240xf32, #tpu.memory_space<vmem_shared>>
      tpu.enqueue_indirect_dma source(%arg5 : memref<64xf32, #tpu.memory_space<vmem>>) target(%dma_start3A_156 : memref<10240xf32, #tpu.memory_space<vmem_shared>>) offsets(%dma_start3A_154 : memref<64xi32, #tpu.memory_space<vmem>>) semaphore(%arg8 : memref<!tpu.dma_semaphore, #tpu.memory_space<semaphore_mem>>) {add = true}
      %mul3A_157 = arith.constant 16 : i32
      %mul3A_158 = arith.muli %scan3A_30, %mul3A_157 : i32
      %add3A_159 = arith.constant 14 : i32
      %add3A_160 = arith.addi %mul3A_158, %add3A_159 : i32
      %dma_start3A_161 = arith.constant 0 : i32
      %dma_start3A_162 = tpu.memref_slice %arg4[%add3A_160, %dma_start3A_161] : memref<160x64xi32, #tpu.memory_space<vmem>> -> memref<1x64xi32, #tpu.memory_space<vmem>>
      %dma_start3A_163 = tpu.memref_squeeze %dma_start3A_162 : memref<1x64xi32, #tpu.memory_space<vmem>> -> memref<64xi32, #tpu.memory_space<vmem>>
      %dma_start3A_164 = arith.constant 0 : i32
      %dma_start3A_165 = tpu.memref_slice %arg7[%dma_start3A_164] : memref<10240xf32, #tpu.memory_space<vmem_shared>> -> memref<10240xf32, #tpu.memory_space<vmem_shared>>
      tpu.enqueue_indirect_dma source(%arg5 : memref<64xf32, #tpu.memory_space<vmem>>) target(%dma_start3A_165 : memref<10240xf32, #tpu.memory_space<vmem_shared>>) offsets(%dma_start3A_163 : memref<64xi32, #tpu.memory_space<vmem>>) semaphore(%arg8 : memref<!tpu.dma_semaphore, #tpu.memory_space<semaphore_mem>>) {add = true}
      %mul3A_166 = arith.constant 16 : i32
      %mul3A_167 = arith.muli %scan3A_30, %mul3A_166 : i32
      %add3A_168 = arith.constant 15 : i32
      %add3A_169 = arith.addi %mul3A_167, %add3A_168 : i32
      %dma_start3A_170 = arith.constant 0 : i32
      %dma_start3A_171 = tpu.memref_slice %arg4[%add3A_169, %dma_start3A_170] : memref<160x64xi32, #tpu.memory_space<vmem>> -> memref<1x64xi32, #tpu.memory_space<vmem>>
      %dma_start3A_172 = tpu.memref_squeeze %dma_start3A_171 : memref<1x64xi32, #tpu.memory_space<vmem>> -> memref<64xi32, #tpu.memory_space<vmem>>
      %dma_start3A_173 = arith.constant 0 : i32
      %dma_start3A_174 = tpu.memref_slice %arg7[%dma_start3A_173] : memref<10240xf32, #tpu.memory_space<vmem_shared>> -> memref<10240xf32, #tpu.memory_space<vmem_shared>>
      tpu.enqueue_indirect_dma source(%arg5 : memref<64xf32, #tpu.memory_space<vmem>>) target(%dma_start3A_174 : memref<10240xf32, #tpu.memory_space<vmem_shared>>) offsets(%dma_start3A_172 : memref<64xi32, #tpu.memory_space<vmem>>) semaphore(%arg8 : memref<!tpu.dma_semaphore, #tpu.memory_space<semaphore_mem>>) {add = true}
      %mul3A_175 = arith.constant 16 : i32
      %mul3A_176 = arith.muli %scan3A_30, %mul3A_175 : i32
      %add3A_177 = arith.constant 0 : i32
      %add3A_178 = arith.addi %mul3A_176, %add3A_177 : i32
      %dma_wait3A = arith.constant 0 : i32
      %dma_wait3A_179 = tpu.memref_slice %arg4[%add3A_178, %dma_wait3A] : memref<160x64xi32, #tpu.memory_space<vmem>> -> memref<1x64xi32, #tpu.memory_space<vmem>>
      %dma_wait3A_180 = tpu.memref_squeeze %dma_wait3A_179 : memref<1x64xi32, #tpu.memory_space<vmem>> -> memref<64xi32, #tpu.memory_space<vmem>>
      %dma_wait3A_181 = arith.constant 0 : i32
      %dma_wait3A_182 = tpu.memref_slice %arg7[%dma_wait3A_181] : memref<10240xf32, #tpu.memory_space<vmem_shared>> -> memref<10240xf32, #tpu.memory_space<vmem_shared>>
      tpu.wait_indirect_dma semaphore(%arg8 : memref<!tpu.dma_semaphore, #tpu.memory_space<semaphore_mem>>) src(%arg5 : memref<64xf32, #tpu.memory_space<vmem>>) dst(%dma_wait3A_182 : memref<10240xf32, #tpu.memory_space<vmem_shared>>)
      %mul3A_183 = arith.constant 16 : i32
      %mul3A_184 = arith.muli %scan3A_30, %mul3A_183 : i32
      %add3A_185 = arith.constant 1 : i32
      %add3A_186 = arith.addi %mul3A_184, %add3A_185 : i32
      %dma_wait3A_187 = arith.constant 0 : i32
      %dma_wait3A_188 = tpu.memref_slice %arg4[%add3A_186, %dma_wait3A_187] : memref<160x64xi32, #tpu.memory_space<vmem>> -> memref<1x64xi32, #tpu.memory_space<vmem>>
      %dma_wait3A_189 = tpu.memref_squeeze %dma_wait3A_188 : memref<1x64xi32, #tpu.memory_space<vmem>> -> memref<64xi32, #tpu.memory_space<vmem>>
      %dma_wait3A_190 = arith.constant 0 : i32
      %dma_wait3A_191 = tpu.memref_slice %arg7[%dma_wait3A_190] : memref<10240xf32, #tpu.memory_space<vmem_shared>> -> memref<10240xf32, #tpu.memory_space<vmem_shared>>
      tpu.wait_indirect_dma semaphore(%arg8 : memref<!tpu.dma_semaphore, #tpu.memory_space<semaphore_mem>>) src(%arg5 : memref<64xf32, #tpu.memory_space<vmem>>) dst(%dma_wait3A_191 : memref<10240xf32, #tpu.memory_space<vmem_shared>>)
      %mul3A_192 = arith.constant 16 : i32
      %mul3A_193 = arith.muli %scan3A_30, %mul3A_192 : i32
      %add3A_194 = arith.constant 2 : i32
      %add3A_195 = arith.addi %mul3A_193, %add3A_194 : i32
      %dma_wait3A_196 = arith.constant 0 : i32
      %dma_wait3A_197 = tpu.memref_slice %arg4[%add3A_195, %dma_wait3A_196] : memref<160x64xi32, #tpu.memory_space<vmem>> -> memref<1x64xi32, #tpu.memory_space<vmem>>
      %dma_wait3A_198 = tpu.memref_squeeze %dma_wait3A_197 : memref<1x64xi32, #tpu.memory_space<vmem>> -> memref<64xi32, #tpu.memory_space<vmem>>
      %dma_wait3A_199 = arith.constant 0 : i32
      %dma_wait3A_200 = tpu.memref_slice %arg7[%dma_wait3A_199] : memref<10240xf32, #tpu.memory_space<vmem_shared>> -> memref<10240xf32, #tpu.memory_space<vmem_shared>>
      tpu.wait_indirect_dma semaphore(%arg8 : memref<!tpu.dma_semaphore, #tpu.memory_space<semaphore_mem>>) src(%arg5 : memref<64xf32, #tpu.memory_space<vmem>>) dst(%dma_wait3A_200 : memref<10240xf32, #tpu.memory_space<vmem_shared>>)
      %mul3A_201 = arith.constant 16 : i32
      %mul3A_202 = arith.muli %scan3A_30, %mul3A_201 : i32
      %add3A_203 = arith.constant 3 : i32
      %add3A_204 = arith.addi %mul3A_202, %add3A_203 : i32
      %dma_wait3A_205 = arith.constant 0 : i32
      %dma_wait3A_206 = tpu.memref_slice %arg4[%add3A_204, %dma_wait3A_205] : memref<160x64xi32, #tpu.memory_space<vmem>> -> memref<1x64xi32, #tpu.memory_space<vmem>>
      %dma_wait3A_207 = tpu.memref_squeeze %dma_wait3A_206 : memref<1x64xi32, #tpu.memory_space<vmem>> -> memref<64xi32, #tpu.memory_space<vmem>>
      %dma_wait3A_208 = arith.constant 0 : i32
      %dma_wait3A_209 = tpu.memref_slice %arg7[%dma_wait3A_208] : memref<10240xf32, #tpu.memory_space<vmem_shared>> -> memref<10240xf32, #tpu.memory_space<vmem_shared>>
      tpu.wait_indirect_dma semaphore(%arg8 : memref<!tpu.dma_semaphore, #tpu.memory_space<semaphore_mem>>) src(%arg5 : memref<64xf32, #tpu.memory_space<vmem>>) dst(%dma_wait3A_209 : memref<10240xf32, #tpu.memory_space<vmem_shared>>)
      %mul3A_210 = arith.constant 16 : i32
      %mul3A_211 = arith.muli %scan3A_30, %mul3A_210 : i32
      %add3A_212 = arith.constant 4 : i32
      %add3A_213 = arith.addi %mul3A_211, %add3A_212 : i32
      %dma_wait3A_214 = arith.constant 0 : i32
      %dma_wait3A_215 = tpu.memref_slice %arg4[%add3A_213, %dma_wait3A_214] : memref<160x64xi32, #tpu.memory_space<vmem>> -> memref<1x64xi32, #tpu.memory_space<vmem>>
      %dma_wait3A_216 = tpu.memref_squeeze %dma_wait3A_215 : memref<1x64xi32, #tpu.memory_space<vmem>> -> memref<64xi32, #tpu.memory_space<vmem>>
      %dma_wait3A_217 = arith.constant 0 : i32
      %dma_wait3A_218 = tpu.memref_slice %arg7[%dma_wait3A_217] : memref<10240xf32, #tpu.memory_space<vmem_shared>> -> memref<10240xf32, #tpu.memory_space<vmem_shared>>
      tpu.wait_indirect_dma semaphore(%arg8 : memref<!tpu.dma_semaphore, #tpu.memory_space<semaphore_mem>>) src(%arg5 : memref<64xf32, #tpu.memory_space<vmem>>) dst(%dma_wait3A_218 : memref<10240xf32, #tpu.memory_space<vmem_shared>>)
      %mul3A_219 = arith.constant 16 : i32
      %mul3A_220 = arith.muli %scan3A_30, %mul3A_219 : i32
      %add3A_221 = arith.constant 5 : i32
      %add3A_222 = arith.addi %mul3A_220, %add3A_221 : i32
      %dma_wait3A_223 = arith.constant 0 : i32
      %dma_wait3A_224 = tpu.memref_slice %arg4[%add3A_222, %dma_wait3A_223] : memref<160x64xi32, #tpu.memory_space<vmem>> -> memref<1x64xi32, #tpu.memory_space<vmem>>
      %dma_wait3A_225 = tpu.memref_squeeze %dma_wait3A_224 : memref<1x64xi32, #tpu.memory_space<vmem>> -> memref<64xi32, #tpu.memory_space<vmem>>
      %dma_wait3A_226 = arith.constant 0 : i32
      %dma_wait3A_227 = tpu.memref_slice %arg7[%dma_wait3A_226] : memref<10240xf32, #tpu.memory_space<vmem_shared>> -> memref<10240xf32, #tpu.memory_space<vmem_shared>>
      tpu.wait_indirect_dma semaphore(%arg8 : memref<!tpu.dma_semaphore, #tpu.memory_space<semaphore_mem>>) src(%arg5 : memref<64xf32, #tpu.memory_space<vmem>>) dst(%dma_wait3A_227 : memref<10240xf32, #tpu.memory_space<vmem_shared>>)
      %mul3A_228 = arith.constant 16 : i32
      %mul3A_229 = arith.muli %scan3A_30, %mul3A_228 : i32
      %add3A_230 = arith.constant 6 : i32
      %add3A_231 = arith.addi %mul3A_229, %add3A_230 : i32
      %dma_wait3A_232 = arith.constant 0 : i32
      %dma_wait3A_233 = tpu.memref_slice %arg4[%add3A_231, %dma_wait3A_232] : memref<160x64xi32, #tpu.memory_space<vmem>> -> memref<1x64xi32, #tpu.memory_space<vmem>>
      %dma_wait3A_234 = tpu.memref_squeeze %dma_wait3A_233 : memref<1x64xi32, #tpu.memory_space<vmem>> -> memref<64xi32, #tpu.memory_space<vmem>>
      %dma_wait3A_235 = arith.constant 0 : i32
      %dma_wait3A_236 = tpu.memref_slice %arg7[%dma_wait3A_235] : memref<10240xf32, #tpu.memory_space<vmem_shared>> -> memref<10240xf32, #tpu.memory_space<vmem_shared>>
      tpu.wait_indirect_dma semaphore(%arg8 : memref<!tpu.dma_semaphore, #tpu.memory_space<semaphore_mem>>) src(%arg5 : memref<64xf32, #tpu.memory_space<vmem>>) dst(%dma_wait3A_236 : memref<10240xf32, #tpu.memory_space<vmem_shared>>)
      %mul3A_237 = arith.constant 16 : i32
      %mul3A_238 = arith.muli %scan3A_30, %mul3A_237 : i32
      %add3A_239 = arith.constant 7 : i32
      %add3A_240 = arith.addi %mul3A_238, %add3A_239 : i32
      %dma_wait3A_241 = arith.constant 0 : i32
      %dma_wait3A_242 = tpu.memref_slice %arg4[%add3A_240, %dma_wait3A_241] : memref<160x64xi32, #tpu.memory_space<vmem>> -> memref<1x64xi32, #tpu.memory_space<vmem>>
      %dma_wait3A_243 = tpu.memref_squeeze %dma_wait3A_242 : memref<1x64xi32, #tpu.memory_space<vmem>> -> memref<64xi32, #tpu.memory_space<vmem>>
      %dma_wait3A_244 = arith.constant 0 : i32
      %dma_wait3A_245 = tpu.memref_slice %arg7[%dma_wait3A_244] : memref<10240xf32, #tpu.memory_space<vmem_shared>> -> memref<10240xf32, #tpu.memory_space<vmem_shared>>
      tpu.wait_indirect_dma semaphore(%arg8 : memref<!tpu.dma_semaphore, #tpu.memory_space<semaphore_mem>>) src(%arg5 : memref<64xf32, #tpu.memory_space<vmem>>) dst(%dma_wait3A_245 : memref<10240xf32, #tpu.memory_space<vmem_shared>>)
      %mul3A_246 = arith.constant 16 : i32
      %mul3A_247 = arith.muli %scan3A_30, %mul3A_246 : i32
      %add3A_248 = arith.constant 8 : i32
      %add3A_249 = arith.addi %mul3A_247, %add3A_248 : i32
      %dma_wait3A_250 = arith.constant 0 : i32
      %dma_wait3A_251 = tpu.memref_slice %arg4[%add3A_249, %dma_wait3A_250] : memref<160x64xi32, #tpu.memory_space<vmem>> -> memref<1x64xi32, #tpu.memory_space<vmem>>
      %dma_wait3A_252 = tpu.memref_squeeze %dma_wait3A_251 : memref<1x64xi32, #tpu.memory_space<vmem>> -> memref<64xi32, #tpu.memory_space<vmem>>
      %dma_wait3A_253 = arith.constant 0 : i32
      %dma_wait3A_254 = tpu.memref_slice %arg7[%dma_wait3A_253] : memref<10240xf32, #tpu.memory_space<vmem_shared>> -> memref<10240xf32, #tpu.memory_space<vmem_shared>>
      tpu.wait_indirect_dma semaphore(%arg8 : memref<!tpu.dma_semaphore, #tpu.memory_space<semaphore_mem>>) src(%arg5 : memref<64xf32, #tpu.memory_space<vmem>>) dst(%dma_wait3A_254 : memref<10240xf32, #tpu.memory_space<vmem_shared>>)
      %mul3A_255 = arith.constant 16 : i32
      %mul3A_256 = arith.muli %scan3A_30, %mul3A_255 : i32
      %add3A_257 = arith.constant 9 : i32
      %add3A_258 = arith.addi %mul3A_256, %add3A_257 : i32
      %dma_wait3A_259 = arith.constant 0 : i32
      %dma_wait3A_260 = tpu.memref_slice %arg4[%add3A_258, %dma_wait3A_259] : memref<160x64xi32, #tpu.memory_space<vmem>> -> memref<1x64xi32, #tpu.memory_space<vmem>>
      %dma_wait3A_261 = tpu.memref_squeeze %dma_wait3A_260 : memref<1x64xi32, #tpu.memory_space<vmem>> -> memref<64xi32, #tpu.memory_space<vmem>>
      %dma_wait3A_262 = arith.constant 0 : i32
      %dma_wait3A_263 = tpu.memref_slice %arg7[%dma_wait3A_262] : memref<10240xf32, #tpu.memory_space<vmem_shared>> -> memref<10240xf32, #tpu.memory_space<vmem_shared>>
      tpu.wait_indirect_dma semaphore(%arg8 : memref<!tpu.dma_semaphore, #tpu.memory_space<semaphore_mem>>) src(%arg5 : memref<64xf32, #tpu.memory_space<vmem>>) dst(%dma_wait3A_263 : memref<10240xf32, #tpu.memory_space<vmem_shared>>)
      %mul3A_264 = arith.constant 16 : i32
      %mul3A_265 = arith.muli %scan3A_30, %mul3A_264 : i32
      %add3A_266 = arith.constant 10 : i32
      %add3A_267 = arith.addi %mul3A_265, %add3A_266 : i32
      %dma_wait3A_268 = arith.constant 0 : i32
      %dma_wait3A_269 = tpu.memref_slice %arg4[%add3A_267, %dma_wait3A_268] : memref<160x64xi32, #tpu.memory_space<vmem>> -> memref<1x64xi32, #tpu.memory_space<vmem>>
      %dma_wait3A_270 = tpu.memref_squeeze %dma_wait3A_269 : memref<1x64xi32, #tpu.memory_space<vmem>> -> memref<64xi32, #tpu.memory_space<vmem>>
      %dma_wait3A_271 = arith.constant 0 : i32
      %dma_wait3A_272 = tpu.memref_slice %arg7[%dma_wait3A_271] : memref<10240xf32, #tpu.memory_space<vmem_shared>> -> memref<10240xf32, #tpu.memory_space<vmem_shared>>
      tpu.wait_indirect_dma semaphore(%arg8 : memref<!tpu.dma_semaphore, #tpu.memory_space<semaphore_mem>>) src(%arg5 : memref<64xf32, #tpu.memory_space<vmem>>) dst(%dma_wait3A_272 : memref<10240xf32, #tpu.memory_space<vmem_shared>>)
      %mul3A_273 = arith.constant 16 : i32
      %mul3A_274 = arith.muli %scan3A_30, %mul3A_273 : i32
      %add3A_275 = arith.constant 11 : i32
      %add3A_276 = arith.addi %mul3A_274, %add3A_275 : i32
      %dma_wait3A_277 = arith.constant 0 : i32
      %dma_wait3A_278 = tpu.memref_slice %arg4[%add3A_276, %dma_wait3A_277] : memref<160x64xi32, #tpu.memory_space<vmem>> -> memref<1x64xi32, #tpu.memory_space<vmem>>
      %dma_wait3A_279 = tpu.memref_squeeze %dma_wait3A_278 : memref<1x64xi32, #tpu.memory_space<vmem>> -> memref<64xi32, #tpu.memory_space<vmem>>
      %dma_wait3A_280 = arith.constant 0 : i32
      %dma_wait3A_281 = tpu.memref_slice %arg7[%dma_wait3A_280] : memref<10240xf32, #tpu.memory_space<vmem_shared>> -> memref<10240xf32, #tpu.memory_space<vmem_shared>>
      tpu.wait_indirect_dma semaphore(%arg8 : memref<!tpu.dma_semaphore, #tpu.memory_space<semaphore_mem>>) src(%arg5 : memref<64xf32, #tpu.memory_space<vmem>>) dst(%dma_wait3A_281 : memref<10240xf32, #tpu.memory_space<vmem_shared>>)
      %mul3A_282 = arith.constant 16 : i32
      %mul3A_283 = arith.muli %scan3A_30, %mul3A_282 : i32
      %add3A_284 = arith.constant 12 : i32
      %add3A_285 = arith.addi %mul3A_283, %add3A_284 : i32
      %dma_wait3A_286 = arith.constant 0 : i32
      %dma_wait3A_287 = tpu.memref_slice %arg4[%add3A_285, %dma_wait3A_286] : memref<160x64xi32, #tpu.memory_space<vmem>> -> memref<1x64xi32, #tpu.memory_space<vmem>>
      %dma_wait3A_288 = tpu.memref_squeeze %dma_wait3A_287 : memref<1x64xi32, #tpu.memory_space<vmem>> -> memref<64xi32, #tpu.memory_space<vmem>>
      %dma_wait3A_289 = arith.constant 0 : i32
      %dma_wait3A_290 = tpu.memref_slice %arg7[%dma_wait3A_289] : memref<10240xf32, #tpu.memory_space<vmem_shared>> -> memref<10240xf32, #tpu.memory_space<vmem_shared>>
      tpu.wait_indirect_dma semaphore(%arg8 : memref<!tpu.dma_semaphore, #tpu.memory_space<semaphore_mem>>) src(%arg5 : memref<64xf32, #tpu.memory_space<vmem>>) dst(%dma_wait3A_290 : memref<10240xf32, #tpu.memory_space<vmem_shared>>)
      %mul3A_291 = arith.constant 16 : i32
      %mul3A_292 = arith.muli %scan3A_30, %mul3A_291 : i32
      %add3A_293 = arith.constant 13 : i32
      %add3A_294 = arith.addi %mul3A_292, %add3A_293 : i32
      %dma_wait3A_295 = arith.constant 0 : i32
      %dma_wait3A_296 = tpu.memref_slice %arg4[%add3A_294, %dma_wait3A_295] : memref<160x64xi32, #tpu.memory_space<vmem>> -> memref<1x64xi32, #tpu.memory_space<vmem>>
      %dma_wait3A_297 = tpu.memref_squeeze %dma_wait3A_296 : memref<1x64xi32, #tpu.memory_space<vmem>> -> memref<64xi32, #tpu.memory_space<vmem>>
      %dma_wait3A_298 = arith.constant 0 : i32
      %dma_wait3A_299 = tpu.memref_slice %arg7[%dma_wait3A_298] : memref<10240xf32, #tpu.memory_space<vmem_shared>> -> memref<10240xf32, #tpu.memory_space<vmem_shared>>
      tpu.wait_indirect_dma semaphore(%arg8 : memref<!tpu.dma_semaphore, #tpu.memory_space<semaphore_mem>>) src(%arg5 : memref<64xf32, #tpu.memory_space<vmem>>) dst(%dma_wait3A_299 : memref<10240xf32, #tpu.memory_space<vmem_shared>>)
      %mul3A_300 = arith.constant 16 : i32
      %mul3A_301 = arith.muli %scan3A_30, %mul3A_300 : i32
      %add3A_302 = arith.constant 14 : i32
      %add3A_303 = arith.addi %mul3A_301, %add3A_302 : i32
      %dma_wait3A_304 = arith.constant 0 : i32
      %dma_wait3A_305 = tpu.memref_slice %arg4[%add3A_303, %dma_wait3A_304] : memref<160x64xi32, #tpu.memory_space<vmem>> -> memref<1x64xi32, #tpu.memory_space<vmem>>
      %dma_wait3A_306 = tpu.memref_squeeze %dma_wait3A_305 : memref<1x64xi32, #tpu.memory_space<vmem>> -> memref<64xi32, #tpu.memory_space<vmem>>
      %dma_wait3A_307 = arith.constant 0 : i32
      %dma_wait3A_308 = tpu.memref_slice %arg7[%dma_wait3A_307] : memref<10240xf32, #tpu.memory_space<vmem_shared>> -> memref<10240xf32, #tpu.memory_space<vmem_shared>>
      tpu.wait_indirect_dma semaphore(%arg8 : memref<!tpu.dma_semaphore, #tpu.memory_space<semaphore_mem>>) src(%arg5 : memref<64xf32, #tpu.memory_space<vmem>>) dst(%dma_wait3A_308 : memref<10240xf32, #tpu.memory_space<vmem_shared>>)
      %mul3A_309 = arith.constant 16 : i32
      %mul3A_310 = arith.muli %scan3A_30, %mul3A_309 : i32
      %add3A_311 = arith.constant 15 : i32
      %add3A_312 = arith.addi %mul3A_310, %add3A_311 : i32
      %dma_wait3A_313 = arith.constant 0 : i32
      %dma_wait3A_314 = tpu.memref_slice %arg4[%add3A_312, %dma_wait3A_313] : memref<160x64xi32, #tpu.memory_space<vmem>> -> memref<1x64xi32, #tpu.memory_space<vmem>>
      %dma_wait3A_315 = tpu.memref_squeeze %dma_wait3A_314 : memref<1x64xi32, #tpu.memory_space<vmem>> -> memref<64xi32, #tpu.memory_space<vmem>>
      %dma_wait3A_316 = arith.constant 0 : i32
      %dma_wait3A_317 = tpu.memref_slice %arg7[%dma_wait3A_316] : memref<10240xf32, #tpu.memory_space<vmem_shared>> -> memref<10240xf32, #tpu.memory_space<vmem_shared>>
      tpu.wait_indirect_dma semaphore(%arg8 : memref<!tpu.dma_semaphore, #tpu.memory_space<semaphore_mem>>) src(%arg5 : memref<64xf32, #tpu.memory_space<vmem>>) dst(%dma_wait3A_317 : memref<10240xf32, #tpu.memory_space<vmem_shared>>)
      %scan3A_318 = arith.constant 0 : i32
      scf.yield %scan3A_318 : i32
    }
    %scan3A_24 = arith.constant 10 : i32
    %barrier3A_25 = arith.constant 0 : index
    tpu.barrier barrier_id(%barrier3A_25)
    %mul3A_26 = arith.constant 640 : i32
    %mul3A_27 = arith.muli %arg1, %mul3A_26 : i32
    %mul3A_28 = arith.constant 640 : i32
    %mul3A_29 = arith.muli %arg1, %mul3A_28 : i32
    "tpu.region"() ({
      %run_scoped3A_30 = tpu.sem_alloc : memref<!tpu.dma_semaphore, #tpu.memory_space<semaphore_mem>>
      %dma_start3A = tpu.memref_slice %arg3[%arg0, %mul3A_29] : memref<2x10240xf32, #tpu.memory_space<hbm>> -> memref<1x640xf32, #tpu.memory_space<hbm>>
      %dma_start3A_31 = tpu.memref_squeeze %dma_start3A : memref<1x640xf32, #tpu.memory_space<hbm>> -> memref<640xf32, #tpu.memory_space<hbm>>
      %dma_start3A_32 = tpu.memref_slice %arg7[%mul3A_27] : memref<10240xf32, #tpu.memory_space<vmem_shared>> -> memref<640xf32, #tpu.memory_space<vmem_shared>>
      tpu.enqueue_dma source(%dma_start3A_32 : memref<640xf32, #tpu.memory_space<vmem_shared>>) target(%dma_start3A_31 : memref<640xf32, #tpu.memory_space<hbm>>) target_semaphore(%run_scoped3A_30 : memref<!tpu.dma_semaphore, #tpu.memory_space<semaphore_mem>>)
      %dma_wait3A = tpu.memref_slice %arg3[%arg0, %mul3A_29] : memref<2x10240xf32, #tpu.memory_space<hbm>> -> memref<1x640xf32, #tpu.memory_space<hbm>>
      %dma_wait3A_33 = tpu.memref_squeeze %dma_wait3A : memref<1x640xf32, #tpu.memory_space<hbm>> -> memref<640xf32, #tpu.memory_space<hbm>>
      %dma_wait3A_34 = tpu.memref_slice %arg7[%mul3A_27] : memref<10240xf32, #tpu.memory_space<vmem_shared>> -> memref<640xf32, #tpu.memory_space<vmem_shared>>
      tpu.wait_dma2 semaphore(%run_scoped3A_30 : memref<!tpu.dma_semaphore, #tpu.memory_space<semaphore_mem>>) src(%dma_wait3A_34 : memref<640xf32, #tpu.memory_space<vmem_shared>>) dst(%dma_wait3A_33 : memref<640xf32, #tpu.memory_space<hbm>>)
      tpu.yield
    }) : () -> ()
    return
  }
}

</mosaic_0001>

<sc_bundles>
// kernel: _deg_call.3.cloned.1.call-start
scs
__scs_entry_jumppad:
0x0: {  	(pc) =	sbr.rel $0x88, $3  }
0x1: {  	(tag) =	ssettag $0x0;
	lr =	simm.s32 $0x1  }
0x2: {  	[smem:$0x3FA0] =	sst lr;
	_ =	strace $0xD0000000  }
0x3: {  	_ = 	snop  }
0x4: {  	_ = 	snop  }
0x5: {  	_ = 	snop  }
0x6: {  	_ = 	snop  }
0x7: {  	_ = 	snop  }
__scs_overlays_trampoline_lowered:
0x8: {  	[smem:$0x3FAF] =	sst s0  }
0x9: {  	[smem:$0x3FB0] =	sst s1  }
0xa: {  	[smem:$0x3FB1] =	sst s2  }
0xb: {  	[smem:$0x3FB2] =	sst s3  }
0xc: {  	[smem:$0x3FB3] =	sst s4  }
0xd: {  	[smem:$0x3FB4] =	sst s5  }
0xe: {  	[smem:$0x3FB5] =	sst s6  }
0xf: {  	[smem:$0x3FB6] =	sst s7  }
0x10: {  	[smem:$0x3FB7] =	sst s8  }
0x11: {  	[smem:$0x3FB8] =	sst s9;
	s0 =	simm.s32 @!p0 $0x0  }
0x12: {  	s1 =	sld [smem:$0x3F9E];
	s0 =	simm.s32 @p0 $0x1  }
0x13: {  	[smem:$0x3FB9] =	sst s0;
	s0 =	simm.s32 @!p1 $0x0  }
0x14: {  	s2 =	sld [smem:$0x3F9D];
	s0 =	simm.s32 @p1 $0x1  }
0x15: {  	[smem:$0x3FBA] =	sst s0;
	s0 =	simm.s32 @!p2 $0x0  }
0x16: {  	s3 =	sld [smem:$0x3FDB];
	s0 =	simm.s32 @p2 $0x1  }
0x17: {  	s4 =	simm.s32 $0x1BF5;
	[smem:$0x3FBC] =	sst s0  }
0x18: {  	s0 =	sld [smem:$0x3F9F];
	_ =	swait.ge [sflag:s4], $0x0  }
0x19: {  	s7 =	sld [smem:$0x3FA0]  }
0x1a: {  	s8 =	sadd.s32 $0xFFFFE003, lr  }
0x1b: {  	s9 =	sadd.s32 $0xFFFFFEF7, lr;
	s5 =	simm.s32 $0xFFFFFFFF;
	p2 =	slt.u32 s8, $0xFFFFF086  }
0x1c: {  	p1 =	slt.u32 s9, $0xF7A;
	s5 =	simm.s32 @!p2 $0x0  }
0x1d: {  	s5 =	simm.s32 @p1 $0x1;
	p0 =	seq.s32 s7, s2  }
0x1e: {  	s7 =	smul.u32 @!p0 $0xF7A, s2;
	p2 =	seq.s32 @!p0 s5, $0x0  }
0x1f: {  	s9 =	smul.u32 $0xF7A, s1;
	s8 =	simm.s32 @!p0 $0x1BF5;
	p2 =	por !p2, p0  }
0x20: {  	[sflag:s8] =	ssyncset.s32 @!p0 $0xFFFFF086;
	s6 =	sadd.s32 @!p0 s3, s7;
	s7 =	simm.s32 @!p0 $0x108  }
0x21: {  	s3 =	sadd.s32 s3, s9;
	s6 =	sadd.s32 @!p0 $0x88, s6;
	s7 =	simm.s32 @p2 $0x1082  }
0x22: {  	[simem:s7], [sflag:s8] =	dma.local @!p0 [hbm:s6], $0xF7A  }
0x23: {  	s9 =	sor.u32 $0xD0000000, s2;
	s6 =	simm.s32 $0x108;
	_ =	swait.ge @!p0 [sflag:s8], $0x0  }
0x24: {  	s3 =	sadd.s32 $0x88, s3;
	s6 =	simm.s32 @!p1 $0x1082;
	[sflag:s4] =	ssyncset.s32 $0xFFFFF086  }
0x25: {  	[simem:s6], [sflag:s4] =	dma.local [hbm:s3], $0xF7A  }
0x26: {  	[smem:$0x3FA0] =	sst s1;
	(tag) =	ssettag s2;
	_ =	strace s9  }
0x27: {  	s1 =	sld [smem:$0x3FB0]  }
0x28: {  	s2 =	sld [smem:$0x3FB1]  }
0x29: {  	s4 =	sld [smem:$0x3FB3]  }
0x2a: {  	p0 =	seq.s32 s5, $0x0;
	s5 =	sld [smem:$0x3FB4]  }
0x2b: {  	s6 =	sld [smem:$0x3FB5]  }
0x2c: {  	s7 =	sld [smem:$0x3FB6]  }
0x2d: {  	s3 =	simm.s32 $0x108;
	s8 =	sld [smem:$0x3FB7]  }
0x2e: {  	s3 =	simm.s32 @!p0 $0x1082;
	s9 =	sld [smem:$0x3FB8]  }
0x2f: {  	lr =	sadd.s32 s0, s3;
	s0 =	sld [smem:$0x3FAF]  }
0x30: {  	s3 =	sld [smem:$0x3FB2]  }
0x31: {  	[smem:$0x3FBB] =	sst s10  }
0x32: {  	s10 =	sld [smem:$0x3FB9];
	_ =	sdelay $0x3  }
0x33: {  	p0 =	seq.s32 s10, $0x1;
	s10 =	sld [smem:$0x3FBB];
	_ =	sdelay $0x3  }
0x34: {  	[smem:$0x3FBB] =	sst s10  }
0x35: {  	s10 =	sld [smem:$0x3FBA];
	_ =	sdelay $0x3  }
0x36: {  	p1 =	seq.s32 s10, $0x1;
	s10 =	sld [smem:$0x3FBB];
	_ =	sdelay $0x3  }
0x37: {  	[smem:$0x3FBB] =	sst s10  }
0x38: {  	s10 =	sld [smem:$0x3FBC]  }
0x39: {  	_ = 	snop;
	(pc) =	sbr.ind lr, $3  }
0x3a: {  	_ = 	snop  }
0x3b: {  	_ = 	snop  }
0x3c: {  	p2 =	seq.s32 s10, $0x1;
	s10 =	sld [smem:$0x3FBB]  }
0x3d: {  	_ =	shalt  }
0x3e: {  	_ =	shalt  }
0x3f: {  	_ =	shalt  }
0x40: {  	_ =	shalt  }
0x41: {  	_ =	shalt  }
0x42: {  	_ =	shalt  }
0x43: {  	_ =	shalt  }
0x44: {  	_ =	shalt  }
0x45: {  	_ =	shalt  }
0x46: {  	_ =	shalt  }
0x47: {  	_ =	shalt  }
0x48: {  	_ =	shalt  }
0x49: {  	_ =	shalt  }
0x4a: {  	_ =	shalt  }
0x4b: {  	_ =	shalt  }
0x4c: {  	_ =	shalt  }
0x4d: {  	_ =	shalt  }
0x4e: {  	_ =	shalt  }
0x4f: {  	_ =	shalt  }
0x50: {  	_ =	shalt  }
0x51: {  	_ =	shalt  }
0x52: {  	_ =	shalt  }
0x53: {  	_ =	shalt  }
0x54: {  	_ =	shalt  }
0x55: {  	_ =	shalt  }
0x56: {  	_ =	shalt  }
0x57: {  	_ =	shalt  }
0x58: {  	_ =	shalt  }
0x59: {  	_ =	shalt  }
0x5a: {  	_ =	shalt  }
0x5b: {  	_ =	shalt  }
0x5c: {  	_ =	shalt  }
0x5d: {  	_ =	shalt  }
0x5e: {  	_ =	shalt  }
0x5f: {  	_ =	shalt  }
0x60: {  	_ =	shalt  }
0x61: {  	_ =	shalt  }
0x62: {  	_ =	shalt  }
0x63: {  	_ =	shalt  }
0x64: {  	_ =	shalt  }
0x65: {  	_ =	shalt  }
0x66: {  	_ =	shalt  }
0x67: {  	_ =	shalt  }
0x68: {  	_ =	shalt  }
0x69: {  	_ =	shalt  }
0x6a: {  	_ =	shalt  }
0x6b: {  	_ =	shalt  }
0x6c: {  	_ =	shalt  }
0x6d: {  	_ =	shalt  }
0x6e: {  	_ =	shalt  }
0x6f: {  	_ =	shalt  }
0x70: {  	_ =	shalt  }
0x71: {  	_ =	shalt  }
0x72: {  	_ =	shalt  }
0x73: {  	_ =	shalt  }
0x74: {  	_ =	shalt  }
0x75: {  	_ =	shalt  }
0x76: {  	_ =	shalt  }
0x77: {  	_ =	shalt  }
0x78: {  	_ =	shalt  }
0x79: {  	_ =	shalt  }
0x7a: {  	_ =	shalt  }
0x7b: {  	_ =	shalt  }
0x7c: {  	_ =	shalt  }
0x7d: {  	_ =	shalt  }
0x7e: {  	_ =	shalt  }
0x7f: {  	_ =	shalt  }
0x80: {  	_ =	shalt  }
0x81: {  	_ =	shalt  }
0x82: {  	_ =	shalt  }
0x83: {  	_ =	shalt  }
0x84: {  	_ =	shalt  }
0x85: {  	_ =	shalt  }
0x86: {  	_ =	shalt  }
0x87: {  	_ =	shalt  }
.Lfunc_end0:
.L_simem_size_0:
called_computation_lowered:
.L_overlay_start_0:
0x88: {  	s2 =	sld [smem:$0x3FD9]  }
0x89: {  	s3 =	sld [smem:$0x3FFE];
	_ =	sdelay $0x1  }
0x8a: {  	s1 =	srdreg.scid  }
0x8b: {  	s0 =	sand.u32 $0x1, s1  }
0x8c: {  	s17 =	sshll.u32 s0, $0xA;
	s2 =	sadd.s32 s3, s2  }
0x8d: {  	s2 =	sadd.s32 s2, s17  }
0x8e: {  	[smem:$0x3FC7] =	sst s2  }
0x8f: {  	_ = 	snop  }
0x90: {  	s2 =	sld [smem:$0x3FD0];
	(tm) =	ssettm $0x1  }
0x91: {  	s18 =	sld [smem:$0x3FFB];
	_ =	sdelay $0x3  }
0x92: {  	_ =	strace s18  }
0x93: {  	s3 =	sld [smem:$0x3FFC];
	_ =	sdelay $0x3  }
0x94: {  	_ =	strace s3  }
0x95: {  	s3 =	sld [smem:$0x3FFD];
	_ =	sdelay $0x3  }
0x96: {  	_ =	strace s3  }
0x97: {  	_ =	strace $0x8FFFFFFF  }
0x98: {  	s19 =	sld [smem:$0x3FDB];
	_ =	sdelay $0x1  }
0x99: {  	s4 =	simm.s32 $_scs_section_size  }
0x9a: {  	s5 =	simm.s32 $_size__tile_overlayer_lowered;
	s6 =	simm.s32 $_tile_overlayer_lowered  }
0x9b: {  	s22 =	simm.s32 $0x1BFF;
	s21 =	sshll.u32 s6, $0x1;
	s3 =	sadd.s32 s4, s19  }
0x9c: {  	s7 =	simm.s32 $0x0;
	s20 =	sshll.u32 s5, $0x1;
	s5 =	sadd.s32 s21, s3  }
0x9d: {  	[timem:s7], [sflag:s22] =	dma.local [hbm:s5], s20  }
0x9e: {  	_ =	swait.ge [sflag:s22], s20  }
0x9f: {  	s4 =	ssub.s32 $0x0, s20;
	[sflag:s22] =	ssyncset.done $0x0  }
0xa0: {  	[sflag:s22] =	ssyncadd.s32 s4;
	_ =	sdelay $0x1  }
0xa1: {  	s23 =	simm.s32 $0x1B8B  }
0xa2: {  	_ =	swait.ge [sflag:s23], $0x1  }
0xa3: {  	[sflag:s23] =	ssyncset.done $0x0  }
0xa4: {  	s25 =	simm.s32 $0x1B8E;
	s24 =	sld [smem:$0x3FFE];
	[sflag:s23] =	ssyncadd.s32 $0xFFFFFFFF  }
0xa5: {  	s26 =	simm.s32 $execute0_lowered;
	[smem:$0x3FD2] =	sst s25  }
0xa6: {  	s5 =	sshll.u32 s26, $0x1;
	_ =	strace $0x80000046;
	[dreg:$0x1] =	wrdreg $0xFFFFFFFF  }
0xa7: {  	s28 =	simm.s32 $_size_execute0_lowered;
	s3 =	sadd.s32 s3, s5;
	[dreg:$0x0] =	wrdreg $0x0  }
0xa8: {  	s5 =	sshll.u32 s28, $0x1;
	[dreg:$0x2] =	wrdreg s3  }
0xa9: {  	[dreg:$0x3] =	wrdreg s5  }
0xaa: {  	[dreg:$0x4] =	wrdreg $0xC0  }
0xab: {  	_ =	task [dreg:s7], $0x5FFFF  }
0xac: {  	[dreg:$0x1] =	wrdreg $0xFFFFFFFF  }
0xad: {  	[dreg:$0x0] =	wrdreg $0x60  }
0xae: {  	[dreg:$0x2] =	wrdreg s24  }
0xaf: {  	[dreg:$0x3] =	wrdreg s2  }
0xb0: {  	[dreg:$0x4] =	wrdreg $0x53000  }
0xb1: {  	[dreg:$0x5] =	wrdreg $0x9  }
0xb2: {  	_ =	task.clear_ibuf [dreg:s7], $0x6FFFF;
	_ =	strace $0x90000046  }
0xb3: {  	s29 =	simm.s32 $0x9;
	_ =	strace $0x80000048  }
0xb4: {  	_ =	swait.ge [sflag:s29], $0x1  }
0xb5: {  	[sflag:s29] =	ssyncadd.s32 $0xFFFFFFFF  }
0xb6: {  	_ =	strace $0x90000048  }
0xb7: {  	_ =	sfence  }
0xb8: {  	s30 =	sld [smem:$0x0];
	_ =	sdelay $0x2  }
0xb9: {  	s31 =	sshll.u32 s1, $0xD;
	s1 =	sshrl.u32 s1, $0x2  }
0xba: {  	s3 =	sand.u32 $0x4000, s31;
	s1 =	sadd.s32 s1, s30  }
0xbb: {  	s0 =	sor.u32 s3, s0;
	s1 =	sshll.u32 s1, $0x11  }
0xbc: {  	s0 =	sor.u32 s1, s0  }
0xbd: {  	s0 =	sadd.s32 $0x8F2B, s0  }
0xbe: {  	[sflag:s0] =	ssyncadd.remote.s32 $0x1  }
0xbf: {  	_ =	sfence.sel $0xFFFF  }
0xc0: {  	[dreg:$0x0] =	wrdreg $0xFFFFFFFF;
	(pc) =	sbr.abs _section_cstart, $3  }
0xc1: {  	[dreg:$0x1] =	wrdreg $0xFFFFFFFF  }
0xc2: {  	_ =	task.clear_ibuf [dreg:s7], $0x2FFFF;
	_ =	strace $0x9FFFFFFF  }
0xc3: {  	(tm) =	ssettm $0x7FFFFFFF  }
tec
execute0_lowered:
.L_overlay_start_1:
0x0: {  	(tag) =	ssettag $0x1  }
0x1: {  	s4 =	rddreg [dreg:$0x0]  }
0x2: {  	s0 =	srdreg.scid;
	s6 =	rddreg [dreg:$0x1]  }
0x3: {  	s2 =	rddreg [dreg:$0x2];
	s1 =	stileid.u32;
	s3 =	simm.s32 $0x0  }
0x4: {  	s12 =	simm.s32 $0x1;
	s15 =	simm.s32 $0x20;
	s16 =	simm.s32 $0x10  }
0x5: {  	s5 =	sand.u32 $0x1, s0;
	s0 =	rddreg [dreg:$0x3];
	s9 =	smul.u32 $0x500, s1  }
0x6: {  	s17 =	simm.s32 $0x0;
	[smem:$0x7FF] =	sst s3;
	s11 =	smul.u32 $0xA00, s1  }
0x7: {  	s13 =	sshll.u32 s1, $0x6;
	s7 =	sshll.u32 s5, $0x4;
	_ =	strace $0x80000047  }
0x8: {  	s8 =	ssub.s32 $0x2, s5;
	s5 =	sshll.u32 s5, $0x7;
	s13 =	sor.u32 $0x1C02, s13  }
0x9: {  	s7 =	sor.u32 s1, s7;
	s10 =	sshrl.u32 s8, $0x1;
	s5 =	sor.u32 s5, s9  }
0xa: {  	s31 =	sshrl.u32 s11, $0x2;
	s11 =	simm.s32 $0x5000;
	s7 =	smul.u32 $0x5000, s7  }
0xb: {  	s8 =	ssub.s32 s8, s10;
	s9 =	sshrl.u32 s5, $0x3;
	s5 =	sadd.s32 s31, s2  }
0xc: {  	s10 =	simm.s32 $0x40;
	s6 =	sadd.s32 s6, s9;
	s7 =	sshrl.u32 s7, $0x3  }
0xd: {  	s9 =	simm.s32 $0x5080;
	s14 =	sshrl.u32 s5, $0x3;
	s4 =	sadd.s32 s4, s7  }
0xe: {  	v0 =	vimm.f32 $1.000000000e+00;
	v1 =	vimm.f32 $0.0e+00;
	s7 =	smax.u32 s8, $0x1;
	s8 =	simm.s32 $0x2;
	s4 =	sadd.s32 $0x14400, s4  }
.LBB2_1:
0xf: {  	[tilespmem:s3], [sflag:$0x2] =	stream.linear.gather [hbm4b:s4+s3], $0x5000, $0x38;
	[tilespmem:$0x5580] =	vst v63  }
0x10: {  	_ =	swait.ge [sflag:s8], $0x5000  }
0x11: {  	[sflag:s8] =	ssyncset.done $0x0  }
0x12: {  	[sflag:s8] =	ssyncadd.s32 $0xFFFFB000  }
0x13: {  	[tilespmem:$0x5000] =	vst v0  }
0x14: {  	[tilespmem:$0x5010] =	vst v0  }
0x15: {  	[tilespmem:$0x5020] =	vst v0  }
0x16: {  	[tilespmem:$0x5030] =	vst v0  }
0x17: {  	[tilespmem:$0x5080] =	vst v1  }
0x18: {  	[tilespmem:$0x5090] =	vst v1  }
0x19: {  	[tilespmem:$0x50A0] =	vst v1  }
0x1a: {  	[tilespmem:$0x50B0] =	vst v1  }
0x1b: {  	[tilespmem:$0x50C0] =	vst v1  }
0x1c: {  	[tilespmem:$0x50D0] =	vst v1  }
0x1d: {  	[tilespmem:$0x50E0] =	vst v1  }
0x1e: {  	[tilespmem:$0x50F0] =	vst v1  }
0x1f: {  	[tilespmem:$0x5100] =	vst v1  }
0x20: {  	[tilespmem:$0x5110] =	vst v1  }
0x21: {  	[tilespmem:$0x5120] =	vst v1  }
0x22: {  	[tilespmem:$0x5130] =	vst v1  }
0x23: {  	[tilespmem:$0x5140] =	vst v1  }
0x24: {  	[tilespmem:$0x5150] =	vst v1  }
0x25: {  	[tilespmem:$0x5160] =	vst v1  }
0x26: {  	[tilespmem:$0x5170] =	vst v1  }
0x27: {  	[tilespmem:$0x5180] =	vst v1  }
0x28: {  	[tilespmem:$0x5190] =	vst v1  }
0x29: {  	[tilespmem:$0x51A0] =	vst v1  }
0x2a: {  	[tilespmem:$0x51B0] =	vst v1  }
0x2b: {  	[tilespmem:$0x51C0] =	vst v1  }
0x2c: {  	[tilespmem:$0x51D0] =	vst v1  }
0x2d: {  	[tilespmem:$0x51E0] =	vst v1  }
0x2e: {  	[tilespmem:$0x51F0] =	vst v1  }
0x2f: {  	[tilespmem:$0x5200] =	vst v1  }
0x30: {  	[tilespmem:$0x5210] =	vst v1  }
0x31: {  	[tilespmem:$0x5220] =	vst v1  }
0x32: {  	[tilespmem:$0x5230] =	vst v1  }
0x33: {  	[tilespmem:$0x5240] =	vst v1  }
0x34: {  	[tilespmem:$0x5250] =	vst v1  }
0x35: {  	[tilespmem:$0x5260] =	vst v1  }
0x36: {  	[tilespmem:$0x5270] =	vst v1  }
0x37: {  	[tilespmem:$0x5280] =	vst v1  }
0x38: {  	[tilespmem:$0x5290] =	vst v1  }
0x39: {  	[tilespmem:$0x52A0] =	vst v1  }
0x3a: {  	[tilespmem:$0x52B0] =	vst v1  }
0x3b: {  	[tilespmem:$0x52C0] =	vst v1  }
0x3c: {  	[tilespmem:$0x52D0] =	vst v1  }
0x3d: {  	[tilespmem:$0x52E0] =	vst v1  }
0x3e: {  	[tilespmem:$0x52F0] =	vst v1  }
0x3f: {  	[spmem:s5] =	stream.linear.scatter [tilespmem:s9], [sflag:$0x2], $0x280, $0x38;
	[tilespmem:$0x5580] =	vst v63  }
0x40: {  	_ =	swait.ge [sflag:s8], $0x280  }
0x41: {  	[sflag:s8] =	ssyncset.done $0x0  }
0x42: {  	[sflag:s8] =	ssyncadd.s32 $0xFFFFFD80  }
0x43: {  	s18 =	simm.s32 $0x0;
	[bflag:$0x0] =	sbarrier.arrive $0xFFFF  }
0x44: {  	[spmem:s2] =	stream.indirect.scatter.add.f32 [tilespmem:s11], [sflag:$0x1], $0x1, s18, s10, $0xb8;
	[tilespmem:$0x5580] =	vst v63  }
0x45: {  	s29 =	simm.s32 $0x80  }
0x46: {  	[spmem:s2] =	stream.indirect.scatter.add.f32 [tilespmem:s11], [sflag:$0x1], $0x1, s29, s10, $0xb8;
	[tilespmem:$0x5580] =	vst v63  }
0x47: {  	s30 =	simm.s32 $0x100  }
0x48: {  	[spmem:s2] =	stream.indirect.scatter.add.f32 [tilespmem:s11], [sflag:$0x1], $0x1, s30, s10, $0xb8;
	[tilespmem:$0x5580] =	vst v63  }
0x49: {  	s31 =	simm.s32 $0x180  }
0x4a: {  	[spmem:s2] =	stream.indirect.scatter.add.f32 [tilespmem:s11], [sflag:$0x1], $0x1, s31, s10, $0xb8;
	[tilespmem:$0x5580] =	vst v63  }
0x4b: {  	s19 =	simm.s32 $0x200  }
0x4c: {  	[spmem:s2] =	stream.indirect.scatter.add.f32 [tilespmem:s11], [sflag:$0x1], $0x1, s19, s10, $0xb8;
	[tilespmem:$0x5580] =	vst v63  }
0x4d: {  	s20 =	simm.s32 $0x280  }
0x4e: {  	[spmem:s2] =	stream.indirect.scatter.add.f32 [tilespmem:s11], [sflag:$0x1], $0x1, s20, s10, $0xb8;
	[tilespmem:$0x5580] =	vst v63  }
0x4f: {  	s21 =	simm.s32 $0x300  }
0x50: {  	[spmem:s2] =	stream.indirect.scatter.add.f32 [tilespmem:s11], [sflag:$0x1], $0x1, s21, s10, $0xb8;
	[tilespmem:$0x5580] =	vst v63  }
0x51: {  	s22 =	simm.s32 $0x380  }
0x52: {  	[spmem:s2] =	stream.indirect.scatter.add.f32 [tilespmem:s11], [sflag:$0x1], $0x1, s22, s10, $0xb8;
	[tilespmem:$0x5580] =	vst v63  }
0x53: {  	s23 =	simm.s32 $0x400  }
0x54: {  	[spmem:s2] =	stream.indirect.scatter.add.f32 [tilespmem:s11], [sflag:$0x1], $0x1, s23, s10, $0xb8;
	[tilespmem:$0x5580] =	vst v63  }
0x55: {  	s24 =	simm.s32 $0x480  }
0x56: {  	[spmem:s2] =	stream.indirect.scatter.add.f32 [tilespmem:s11], [sflag:$0x1], $0x1, s24, s10, $0xb8;
	[tilespmem:$0x5580] =	vst v63  }
0x57: {  	s25 =	simm.s32 $0x500  }
0x58: {  	[spmem:s2] =	stream.indirect.scatter.add.f32 [tilespmem:s11], [sflag:$0x1], $0x1, s25, s10, $0xb8;
	[tilespmem:$0x5580] =	vst v63  }
0x59: {  	s26 =	simm.s32 $0x580  }
0x5a: {  	[spmem:s2] =	stream.indirect.scatter.add.f32 [tilespmem:s11], [sflag:$0x1], $0x1, s26, s10, $0xb8;
	[tilespmem:$0x5580] =	vst v63  }
0x5b: {  	s28 =	simm.s32 $0x600  }
0x5c: {  	[spmem:s2] =	stream.indirect.scatter.add.f32 [tilespmem:s11], [sflag:$0x1], $0x1, s28, s10, $0xb8;
	[tilespmem:$0x5580] =	vst v63  }
0x5d: {  	s29 =	simm.s32 $0x680  }
0x5e: {  	[spmem:s2] =	stream.indirect.scatter.add.f32 [tilespmem:s11], [sflag:$0x1], $0x1, s29, s10, $0xb8;
	[tilespmem:$0x5580] =	vst v63  }
0x5f: {  	s30 =	simm.s32 $0x700  }
0x60: {  	[spmem:s2] =	stream.indirect.scatter.add.f32 [tilespmem:s11], [sflag:$0x1], $0x1, s30, s10, $0xb8;
	[tilespmem:$0x5580] =	vst v63  }
0x61: {  	s31 =	simm.s32 $0x780  }
0x62: {  	[spmem:s2] =	stream.indirect.scatter.add.f32 [tilespmem:s11], [sflag:$0x1], $0x1, s31, s10, $0xb8;
	[tilespmem:$0x5580] =	vst v63  }
0x63: {  	_ =	swait.ge [sflag:s12], $0x40  }
0x64: {  	[sflag:s12] =	ssyncset.done $0x0  }
0x65: {  	[sflag:s12] =	ssyncadd.s32 $0xFFFFFFC0  }
0x66: {  	_ =	swait.ge [sflag:s12], $0x40  }
0x67: {  	[sflag:s12] =	ssyncset.done $0x0  }
0x68: {  	[sflag:s12] =	ssyncadd.s32 $0xFFFFFFC0  }
0x69: {  	_ =	swait.ge [sflag:s12], $0x40  }
0x6a: {  	[sflag:s12] =	ssyncset.done $0x0  }
0x6b: {  	[sflag:s12] =	ssyncadd.s32 $0xFFFFFFC0  }
0x6c: {  	_ =	swait.ge [sflag:s12], $0x40  }
0x6d: {  	[sflag:s12] =	ssyncset.done $0x0  }
0x6e: {  	[sflag:s12] =	ssyncadd.s32 $0xFFFFFFC0  }
0x6f: {  	_ =	swait.ge [sflag:s12], $0x40  }
0x70: {  	[sflag:s12] =	ssyncset.done $0x0  }
0x71: {  	[sflag:s12] =	ssyncadd.s32 $0xFFFFFFC0  }
0x72: {  	_ =	swait.ge [sflag:s12], $0x40  }
0x73: {  	[sflag:s12] =	ssyncset.done $0x0  }
0x74: {  	[sflag:s12] =	ssyncadd.s32 $0xFFFFFFC0  }
0x75: {  	_ =	swait.ge [sflag:s12], $0x40  }
0x76: {  	[sflag:s12] =	ssyncset.done $0x0  }
0x77: {  	[sflag:s12] =	ssyncadd.s32 $0xFFFFFFC0  }
0x78: {  	_ =	swait.ge [sflag:s12], $0x40  }
0x79: {  	[sflag:s12] =	ssyncset.done $0x0  }
0x7a: {  	[sflag:s12] =	ssyncadd.s32 $0xFFFFFFC0  }
0x7b: {  	_ =	swait.ge [sflag:s12], $0x40  }
0x7c: {  	[sflag:s12] =	ssyncset.done $0x0  }
0x7d: {  	[sflag:s12] =	ssyncadd.s32 $0xFFFFFFC0  }
0x7e: {  	_ =	swait.ge [sflag:s12], $0x40  }
0x7f: {  	[sflag:s12] =	ssyncset.done $0x0  }
0x80: {  	[sflag:s12] =	ssyncadd.s32 $0xFFFFFFC0  }
0x81: {  	_ =	swait.ge [sflag:s12], $0x40  }
0x82: {  	[sflag:s12] =	ssyncset.done $0x0  }
0x83: {  	[sflag:s12] =	ssyncadd.s32 $0xFFFFFFC0  }
0x84: {  	_ =	swait.ge [sflag:s12], $0x40  }
0x85: {  	[sflag:s12] =	ssyncset.done $0x0  }
0x86: {  	[sflag:s12] =	ssyncadd.s32 $0xFFFFFFC0  }
0x87: {  	_ =	swait.ge [sflag:s12], $0x40  }
0x88: {  	[sflag:s12] =	ssyncset.done $0x0  }
0x89: {  	[sflag:s12] =	ssyncadd.s32 $0xFFFFFFC0  }
0x8a: {  	_ =	swait.ge [sflag:s12], $0x40  }
0x8b: {  	[sflag:s12] =	ssyncset.done $0x0  }
0x8c: {  	[sflag:s12] =	ssyncadd.s32 $0xFFFFFFC0  }
0x8d: {  	_ =	swait.ge [sflag:s12], $0x40  }
0x8e: {  	[sflag:s12] =	ssyncset.done $0x0  }
0x8f: {  	[sflag:s12] =	ssyncadd.s32 $0xFFFFFFC0  }
0x90: {  	_ =	swait.ge [sflag:s12], $0x40  }
0x91: {  	s18 =	simm.s32 $0x2000;
	s21 =	simm.s32 $0x4000;
	[sflag:s12] =	ssyncset.done $0x0  }
.LBB2_2:
0x92: {  	s20 =	sshra.s32 s18, $0x2  }
0x93: {  	[sflag:s12] =	ssyncadd.s32 $0xFFFFFFC0;
	s18 =	smov.u32 s21;
	s19 =	sadd.s32 $0x2000, s21  }
0x94: {  	[spmem:s2] =	stream.indirect.scatter.add.f32 [tilespmem:s11], [sflag:$0x1], $0x1, s20, s10, $0xb8;
	[tilespmem:$0x5580] =	vst v63  }
0x95: {  	p0 =	sne.s32 s21, $0x12000;
	s21 =	sadd.s32 $0x80, s20  }
0x96: {  	[spmem:s2] =	stream.indirect.scatter.add.f32 [tilespmem:s11], [sflag:$0x1], $0x1, s21, s10, $0xb8;
	[tilespmem:$0x5580] =	vst v63  }
0x97: {  	s21 =	sadd.s32 $0x100, s20  }
0x98: {  	[spmem:s2] =	stream.indirect.scatter.add.f32 [tilespmem:s11], [sflag:$0x1], $0x1, s21, s10, $0xb8;
	[tilespmem:$0x5580] =	vst v63  }
0x99: {  	s21 =	sadd.s32 $0x180, s20  }
0x9a: {  	[spmem:s2] =	stream.indirect.scatter.add.f32 [tilespmem:s11], [sflag:$0x1], $0x1, s21, s10, $0xb8;
	[tilespmem:$0x5580] =	vst v63  }
0x9b: {  	s21 =	sadd.s32 $0x200, s20  }
0x9c: {  	[spmem:s2] =	stream.indirect.scatter.add.f32 [tilespmem:s11], [sflag:$0x1], $0x1, s21, s10, $0xb8;
	[tilespmem:$0x5580] =	vst v63  }
0x9d: {  	s21 =	sadd.s32 $0x280, s20  }
0x9e: {  	[spmem:s2] =	stream.indirect.scatter.add.f32 [tilespmem:s11], [sflag:$0x1], $0x1, s21, s10, $0xb8;
	[tilespmem:$0x5580] =	vst v63  }
0x9f: {  	s21 =	sadd.s32 $0x300, s20  }
0xa0: {  	[spmem:s2] =	stream.indirect.scatter.add.f32 [tilespmem:s11], [sflag:$0x1], $0x1, s21, s10, $0xb8;
	[tilespmem:$0x5580] =	vst v63  }
0xa1: {  	s21 =	sadd.s32 $0x380, s20  }
0xa2: {  	[spmem:s2] =	stream.indirect.scatter.add.f32 [tilespmem:s11], [sflag:$0x1], $0x1, s21, s10, $0xb8;
	[tilespmem:$0x5580] =	vst v63  }
0xa3: {  	s21 =	sadd.s32 $0x400, s20  }
0xa4: {  	[spmem:s2] =	stream.indirect.scatter.add.f32 [tilespmem:s11], [sflag:$0x1], $0x1, s21, s10, $0xb8;
	[tilespmem:$0x5580] =	vst v63  }
0xa5: {  	s21 =	sadd.s32 $0x480, s20  }
0xa6: {  	[spmem:s2] =	stream.indirect.scatter.add.f32 [tilespmem:s11], [sflag:$0x1], $0x1, s21, s10, $0xb8;
	[tilespmem:$0x5580] =	vst v63  }
0xa7: {  	s21 =	sadd.s32 $0x500, s20  }
0xa8: {  	[spmem:s2] =	stream.indirect.scatter.add.f32 [tilespmem:s11], [sflag:$0x1], $0x1, s21, s10, $0xb8;
	[tilespmem:$0x5580] =	vst v63  }
0xa9: {  	s21 =	sadd.s32 $0x580, s20  }
0xaa: {  	[spmem:s2] =	stream.indirect.scatter.add.f32 [tilespmem:s11], [sflag:$0x1], $0x1, s21, s10, $0xb8;
	[tilespmem:$0x5580] =	vst v63  }
0xab: {  	s21 =	sadd.s32 $0x600, s20  }
0xac: {  	[spmem:s2] =	stream.indirect.scatter.add.f32 [tilespmem:s11], [sflag:$0x1], $0x1, s21, s10, $0xb8;
	[tilespmem:$0x5580] =	vst v63  }
0xad: {  	s21 =	sadd.s32 $0x680, s20  }
0xae: {  	[spmem:s2] =	stream.indirect.scatter.add.f32 [tilespmem:s11], [sflag:$0x1], $0x1, s21, s10, $0xb8;
	[tilespmem:$0x5580] =	vst v63  }
0xaf: {  	s21 =	sadd.s32 $0x700, s20  }
0xb0: {  	[spmem:s2] =	stream.indirect.scatter.add.f32 [tilespmem:s11], [sflag:$0x1], $0x1, s21, s10, $0xb8;
	[tilespmem:$0x5580] =	vst v63  }
0xb1: {  	s20 =	sadd.s32 $0x780, s20  }
0xb2: {  	[spmem:s2] =	stream.indirect.scatter.add.f32 [tilespmem:s11], [sflag:$0x1], $0x1, s20, s10, $0xb8;
	[tilespmem:$0x5580] =	vst v63  }
0xb3: {  	_ =	swait.ge [sflag:s12], $0x40  }
0xb4: {  	[sflag:s12] =	ssyncset.done $0x0  }
0xb5: {  	[sflag:s12] =	ssyncadd.s32 $0xFFFFFFC0  }
0xb6: {  	_ =	swait.ge [sflag:s12], $0x40  }
0xb7: {  	[sflag:s12] =	ssyncset.done $0x0  }
0xb8: {  	[sflag:s12] =	ssyncadd.s32 $0xFFFFFFC0  }
0xb9: {  	_ =	swait.ge [sflag:s12], $0x40  }
0xba: {  	[sflag:s12] =	ssyncset.done $0x0  }
0xbb: {  	[sflag:s12] =	ssyncadd.s32 $0xFFFFFFC0  }
0xbc: {  	_ =	swait.ge [sflag:s12], $0x40  }
0xbd: {  	[sflag:s12] =	ssyncset.done $0x0  }
0xbe: {  	[sflag:s12] =	ssyncadd.s32 $0xFFFFFFC0  }
0xbf: {  	_ =	swait.ge [sflag:s12], $0x40  }
0xc0: {  	[sflag:s12] =	ssyncset.done $0x0  }
0xc1: {  	[sflag:s12] =	ssyncadd.s32 $0xFFFFFFC0  }
0xc2: {  	_ =	swait.ge [sflag:s12], $0x40  }
0xc3: {  	[sflag:s12] =	ssyncset.done $0x0  }
0xc4: {  	[sflag:s12] =	ssyncadd.s32 $0xFFFFFFC0  }
0xc5: {  	_ =	swait.ge [sflag:s12], $0x40  }
0xc6: {  	[sflag:s12] =	ssyncset.done $0x0  }
0xc7: {  	[sflag:s12] =	ssyncadd.s32 $0xFFFFFFC0  }
0xc8: {  	_ =	swait.ge [sflag:s12], $0x40  }
0xc9: {  	[sflag:s12] =	ssyncset.done $0x0  }
0xca: {  	[sflag:s12] =	ssyncadd.s32 $0xFFFFFFC0  }
0xcb: {  	_ =	swait.ge [sflag:s12], $0x40  }
0xcc: {  	[sflag:s12] =	ssyncset.done $0x0  }
0xcd: {  	[sflag:s12] =	ssyncadd.s32 $0xFFFFFFC0  }
0xce: {  	_ =	swait.ge [sflag:s12], $0x40  }
0xcf: {  	[sflag:s12] =	ssyncset.done $0x0  }
0xd0: {  	[sflag:s12] =	ssyncadd.s32 $0xFFFFFFC0  }
0xd1: {  	_ =	swait.ge [sflag:s12], $0x40  }
0xd2: {  	[sflag:s12] =	ssyncset.done $0x0  }
0xd3: {  	[sflag:s12] =	ssyncadd.s32 $0xFFFFFFC0  }
0xd4: {  	_ =	swait.ge [sflag:s12], $0x40  }
0xd5: {  	[sflag:s12] =	ssyncset.done $0x0  }
0xd6: {  	[sflag:s12] =	ssyncadd.s32 $0xFFFFFFC0  }
0xd7: {  	_ =	swait.ge [sflag:s12], $0x40  }
0xd8: {  	[sflag:s12] =	ssyncset.done $0x0  }
0xd9: {  	[sflag:s12] =	ssyncadd.s32 $0xFFFFFFC0  }
0xda: {  	_ =	swait.ge [sflag:s12], $0x40  }
0xdb: {  	[sflag:s12] =	ssyncset.done $0x0  }
0xdc: {  	[sflag:s12] =	ssyncadd.s32 $0xFFFFFFC0  }
.Ltmp0:
0xdd: {  	_ =	swait.ge [sflag:s12], $0x40;
	(pc) =	sbr.rel @p0 .LBB2_2-.Ltmp0, $4  }
0xde: {  	[sflag:s12] =	ssyncset.done $0x0  }
0xdf: {  	[sflag:s12] =	ssyncadd.s32 $0xFFFFFFC0  }
0xe0: {  	_ =	swait.ge [sflag:s12], $0x40  }
0xe1: {  	s21 =	smov.u32 s19;
	[sflag:s12] =	ssyncset.done $0x0  }
0xe2: {  	s18 =	sshra.s32 s18, $0x2;
	[sflag:s12] =	ssyncadd.s32 $0xFFFFFFC0  }
0xe3: {  	[spmem:s2] =	stream.indirect.scatter.add.f32 [tilespmem:s11], [sflag:$0x1], $0x1, s18, s10, $0xb8;
	[tilespmem:$0x5580] =	vst v63  }
0xe4: {  	s19 =	sadd.s32 $0x80, s18  }
0xe5: {  	[spmem:s2] =	stream.indirect.scatter.add.f32 [tilespmem:s11], [sflag:$0x1], $0x1, s19, s10, $0xb8;
	[tilespmem:$0x5580] =	vst v63  }
0xe6: {  	s30 =	sadd.s32 $0x100, s18  }
0xe7: {  	[spmem:s2] =	stream.indirect.scatter.add.f32 [tilespmem:s11], [sflag:$0x1], $0x1, s30, s10, $0xb8;
	[tilespmem:$0x5580] =	vst v63  }
0xe8: {  	s31 =	sadd.s32 $0x180, s18  }
0xe9: {  	[spmem:s2] =	stream.indirect.scatter.add.f32 [tilespmem:s11], [sflag:$0x1], $0x1, s31, s10, $0xb8;
	[tilespmem:$0x5580] =	vst v63  }
0xea: {  	s20 =	sadd.s32 $0x200, s18  }
0xeb: {  	[spmem:s2] =	stream.indirect.scatter.add.f32 [tilespmem:s11], [sflag:$0x1], $0x1, s20, s10, $0xb8;
	[tilespmem:$0x5580] =	vst v63  }
0xec: {  	s21 =	sadd.s32 $0x280, s18  }
0xed: {  	[spmem:s2] =	stream.indirect.scatter.add.f32 [tilespmem:s11], [sflag:$0x1], $0x1, s21, s10, $0xb8;
	[tilespmem:$0x5580] =	vst v63  }
0xee: {  	s22 =	sadd.s32 $0x300, s18  }
0xef: {  	[spmem:s2] =	stream.indirect.scatter.add.f32 [tilespmem:s11], [sflag:$0x1], $0x1, s22, s10, $0xb8;
	[tilespmem:$0x5580] =	vst v63  }
0xf0: {  	s23 =	sadd.s32 $0x380, s18  }
0xf1: {  	[spmem:s2] =	stream.indirect.scatter.add.f32 [tilespmem:s11], [sflag:$0x1], $0x1, s23, s10, $0xb8;
	[tilespmem:$0x5580] =	vst v63  }
0xf2: {  	s24 =	sadd.s32 $0x400, s18  }
0xf3: {  	[spmem:s2] =	stream.indirect.scatter.add.f32 [tilespmem:s11], [sflag:$0x1], $0x1, s24, s10, $0xb8;
	[tilespmem:$0x5580] =	vst v63  }
0xf4: {  	s25 =	sadd.s32 $0x480, s18  }
0xf5: {  	[spmem:s2] =	stream.indirect.scatter.add.f32 [tilespmem:s11], [sflag:$0x1], $0x1, s25, s10, $0xb8;
	[tilespmem:$0x5580] =	vst v63  }
0xf6: {  	s26 =	sadd.s32 $0x500, s18  }
0xf7: {  	[spmem:s2] =	stream.indirect.scatter.add.f32 [tilespmem:s11], [sflag:$0x1], $0x1, s26, s10, $0xb8;
	[tilespmem:$0x5580] =	vst v63  }
0xf8: {  	s28 =	sadd.s32 $0x580, s18  }
0xf9: {  	[spmem:s2] =	stream.indirect.scatter.add.f32 [tilespmem:s11], [sflag:$0x1], $0x1, s28, s10, $0xb8;
	[tilespmem:$0x5580] =	vst v63  }
0xfa: {  	s29 =	sadd.s32 $0x600, s18  }
0xfb: {  	[spmem:s2] =	stream.indirect.scatter.add.f32 [tilespmem:s11], [sflag:$0x1], $0x1, s29, s10, $0xb8;
	[tilespmem:$0x5580] =	vst v63  }
0xfc: {  	s30 =	sadd.s32 $0x680, s18  }
0xfd: {  	[spmem:s2] =	stream.indirect.scatter.add.f32 [tilespmem:s11], [sflag:$0x1], $0x1, s30, s10, $0xb8;
	[tilespmem:$0x5580] =	vst v63  }
0xfe: {  	s31 =	sadd.s32 $0x700, s18  }
0xff: {  	[spmem:s2] =	stream.indirect.scatter.add.f32 [tilespmem:s11], [sflag:$0x1], $0x1, s31, s10, $0xb8;
	[tilespmem:$0x5580] =	vst v63  }
0x100: {  	s18 =	sadd.s32 $0x780, s18  }
0x101: {  	[spmem:s2] =	stream.indirect.scatter.add.f32 [tilespmem:s11], [sflag:$0x1], $0x1, s18, s10, $0xb8;
	[tilespmem:$0x5580] =	vst v63  }
0x102: {  	_ =	swait.ge [sflag:s12], $0x40  }
0x103: {  	[sflag:s12] =	ssyncset.done $0x0  }
0x104: {  	[sflag:s12] =	ssyncadd.s32 $0xFFFFFFC0  }
0x105: {  	_ =	swait.ge [sflag:s12], $0x40  }
0x106: {  	[sflag:s12] =	ssyncset.done $0x0  }
0x107: {  	[sflag:s12] =	ssyncadd.s32 $0xFFFFFFC0  }
0x108: {  	_ =	swait.ge [sflag:s12], $0x40  }
0x109: {  	[sflag:s12] =	ssyncset.done $0x0  }
0x10a: {  	[sflag:s12] =	ssyncadd.s32 $0xFFFFFFC0  }
0x10b: {  	_ =	swait.ge [sflag:s12], $0x40  }
0x10c: {  	[sflag:s12] =	ssyncset.done $0x0  }
0x10d: {  	[sflag:s12] =	ssyncadd.s32 $0xFFFFFFC0  }
0x10e: {  	_ =	swait.ge [sflag:s12], $0x40  }
0x10f: {  	[sflag:s12] =	ssyncset.done $0x0  }
0x110: {  	[sflag:s12] =	ssyncadd.s32 $0xFFFFFFC0  }
0x111: {  	_ =	swait.ge [sflag:s12], $0x40  }
0x112: {  	[sflag:s12] =	ssyncset.done $0x0  }
0x113: {  	[sflag:s12] =	ssyncadd.s32 $0xFFFFFFC0  }
0x114: {  	_ =	swait.ge [sflag:s12], $0x40  }
0x115: {  	[sflag:s12] =	ssyncset.done $0x0  }
0x116: {  	[sflag:s12] =	ssyncadd.s32 $0xFFFFFFC0  }
0x117: {  	_ =	swait.ge [sflag:s12], $0x40  }
0x118: {  	[sflag:s12] =	ssyncset.done $0x0  }
0x119: {  	[sflag:s12] =	ssyncadd.s32 $0xFFFFFFC0  }
0x11a: {  	_ =	swait.ge [sflag:s12], $0x40  }
0x11b: {  	[sflag:s12] =	ssyncset.done $0x0  }
0x11c: {  	[sflag:s12] =	ssyncadd.s32 $0xFFFFFFC0  }
0x11d: {  	_ =	swait.ge [sflag:s12], $0x40  }
0x11e: {  	[sflag:s12] =	ssyncset.done $0x0  }
0x11f: {  	[sflag:s12] =	ssyncadd.s32 $0xFFFFFFC0  }
0x120: {  	_ =	swait.ge [sflag:s12], $0x40  }
0x121: {  	[sflag:s12] =	ssyncset.done $0x0  }
0x122: {  	[sflag:s12] =	ssyncadd.s32 $0xFFFFFFC0  }
0x123: {  	_ =	swait.ge [sflag:s12], $0x40  }
0x124: {  	[sflag:s12] =	ssyncset.done $0x0  }
0x125: {  	[sflag:s12] =	ssyncadd.s32 $0xFFFFFFC0  }
0x126: {  	_ =	swait.ge [sflag:s12], $0x40  }
0x127: {  	[sflag:s12] =	ssyncset.done $0x0  }
0x128: {  	[sflag:s12] =	ssyncadd.s32 $0xFFFFFFC0  }
0x129: {  	_ =	swait.ge [sflag:s12], $0x40  }
0x12a: {  	[sflag:s12] =	ssyncset.done $0x0  }
0x12b: {  	[sflag:s12] =	ssyncadd.s32 $0xFFFFFFC0  }
0x12c: {  	_ =	swait.ge [sflag:s12], $0x40  }
0x12d: {  	[sflag:s12] =	ssyncset.done $0x0  }
0x12e: {  	[sflag:s12] =	ssyncadd.s32 $0xFFFFFFC0  }
0x12f: {  	_ =	swait.ge [sflag:s12], $0x40  }
0x130: {  	s17 =	sadd.s32 $0x1, s17;
	[sflag:s12] =	ssyncset.done $0x0  }
0x131: {  	p0 =	sne.s32 s17, s7;
	[sflag:s12] =	ssyncadd.s32 $0xFFFFFFC0  }
.Ltmp1:
0x132: {  	[bflag:$0x0] =	sbarrier.arrive $0xFFFF;
	(pc) =	sbr.rel @p0 .LBB2_1-.Ltmp1, $4  }
0x133: {  	[hbm:s6@s15], [sflag:s13] =	dma.strided [spmem:s14@s16], $0x50, s12, $0x10   }
0x134: {  	_ =	swait.ge [sflag:s8], $0x50  }
0x135: {  	[sflag:s8] =	ssyncset.done $0x0  }
0x136: {  	[sflag:s8] =	ssyncadd.s32 $0xFFFFFFB0  }
0x137: {  	_ =	sfence.sel $0x180000  }
0x138: {  	[bflag:$0x0] =	sbarrier.arrive $0xFFFF  }
0x139: {  	p0 =	sne.s32 s1, $0x0;
	_ =	strace $0x90000047  }
0x13a: {  	s0 =	sadd.s32 @!p0 $0x100000, s0;
	[bflag:$0x2] =	sbarrier.arrive $0xFFFF  }
0x13b: {  	[sflag:s0] =	ssyncadd.tile.s32 @!p0 $0x1;
	_ =	shalt  }
.Lfunc_end2:
_tile_overlayer_lowered:
.L_overlay_start_2:
0x13c: {  	(tag) =	ssettag $0x2  }
0x13d: {  	s0 =	rddreg [dreg:$0x0];
	s2 =	stileid.u32  }
0x13e: {  	s1 =	rddreg [dreg:$0x1];
	p0 =	sne.s32 s2, $0x0  }
0x13f: {  	s3 =	rddreg [dreg:$0x2];
	[bflag:$0x3] =	sbarrier.arrive $0xFFFF;
	s2 =	simm.s32 @!p0 $0x1C02  }
0x140: {  	[timem:s3], [sflag:s2] =	dma.local @!p0 [hbm:s0], s1  }
0x141: {  	s0 =	simm.s32 @!p0 $0x2  }
0x142: {  	_ =	swait.ge @!p0 [sflag:s0], s1  }
0x143: {  	s1 =	ssub.s32 @!p0 $0x0, s1;
	[sflag:s0] =	ssyncset.done @!p0 $0x0  }
0x144: {  	[sflag:s0] =	ssyncadd.s32 @!p0 s1  }
0x145: {  	[bflag:$0x3] =	sbarrier.arrive $0xFFFF  }
0x146: {  	_ =	shalt  }

</sc_bundles>
